<compile_context>
chip_gen: v7x
topology: tpu7x:2x2x1
jax: 0.10.2.dev20260603
libtpu: 0.0.44.dev20260713+nightly
codegen_flags: <defaults>
</compile_context>

<pallas_src>
import jax
import jax.numpy as jnp
from jax import lax
from jax.experimental import pallas as pl
from jax.experimental.pallas import tpu as pltpu, tpu_sc as plsc

VOCAB = 1000000
EMBED = 64
MAXLEN = 200
BATCH = 4096
SEQ = 200

_INFO = plsc.get_sparse_core_info()
NC, NS, L = _INFO.num_cores, _INFO.num_subcores, _INFO.num_lanes
NW = NC * NS

TOTAL = BATCH * SEQ
PER_W = TOTAL // NW
G = 2 * MAXLEN
HG = 100
NSUB = G // HG
CHUNKS = PER_W // G
K = 4
GROUPS = CHUNKS // K


def _body(x_hbm, wemb_hbm, pemb_hbm, out_hbm, idx_v, pos_v, isem, *rest):
    bufs = rest[:K]
    gsems = rest[K:2 * K]
    wsems = rest[2 * K:3 * K]

    cid = lax.axis_index("c")
    sid = lax.axis_index("s")
    wid = sid * NC + cid
    base = wid * PER_W

    pltpu.sync_copy(pemb_hbm, pos_v)

    def group_body(g, carry):
        c0 = g * K

        pltpu.async_copy(
            x_hbm.at[wid, pl.ds(c0, K)], idx_v, isem).wait()

        ghandles = []
        for b in range(K):
            hs = [pltpu.async_copy(
                      wemb_hbm.at[idx_v.at[b, s]],
                      bufs[b].at[pl.ds(s * HG, HG)], gsems[b])
                  for s in range(NSUB)]
            ghandles.append(hs)

        whandles = []
        for b in range(K):
            for h in ghandles[b]:
                h.wait()
            buf = bufs[b]

            @plsc.parallel_loop(0, MAXLEN, unroll=4)
            def _(i):
                for half in range(G // MAXLEN):
                    r = half * MAXLEN
                    for cc in range(EMBED // L):
                        sl = pl.ds(cc * L, L)
                        buf[r + i, sl] = buf[r + i, sl] + pos_v[i, sl]

            wh = pltpu.make_async_copy(
                buf, out_hbm.at[pl.ds(base + (c0 + b) * G, G)], wsems[b])
            wh.start()
            whandles.append(wh)

        for wh in whandles:
            wh.wait()
        return carry

    lax.fori_loop(0, GROUPS, group_body, 0)


@jax.jit
def _run(x4, word_emb, pos_emb):
    mesh = plsc.VectorSubcoreMesh(core_axis_name="c", subcore_axis_name="s")
    f = pl.kernel(
        _body,
        out_type=jax.ShapeDtypeStruct((TOTAL, EMBED), jnp.float32),
        mesh=mesh,
        scratch_types=(
            [pltpu.VMEM((K, NSUB, HG), jnp.int32),
             pltpu.VMEM((MAXLEN, EMBED), jnp.float32),
             pltpu.SemaphoreType.DMA]
            + [pltpu.VMEM((G, EMBED), jnp.float32)] * K
            + [pltpu.SemaphoreType.DMA] * (2 * K)
        ),
        compiler_params=pltpu.CompilerParams(use_tc_tiling_on_sc=False),
    )
    return f(x4, word_emb, pos_emb)


def kernel(x, word_emb, pos_emb):
    x4 = x.reshape(NW, CHUNKS, NSUB, HG)
    out = _run(x4, word_emb, pos_emb)
    return out.reshape(BATCH, SEQ, EMBED)

# --- scband reference (transcript-rebuilt; emitter-appended) ---
"""Pipeline reference for scband-token-and-positional-embedding-83202106458125 (READ-ONLY COPY).

The authoritative reference and input builder live on the scoring server;
editing this copy changes nothing except your own understanding.
"""

import jax, jax.numpy as jnp
import numpy as np

VOCAB = 1000000
EMBED = 64
MAXLEN = 200
BATCH = 4096
SEQ = 200

def setup_inputs(seed: int = 0) -> dict:
    key = jax.random.key(seed)
    k1, k2, k3 = jax.random.split(key, 3)
    x = jax.random.randint(k1, (BATCH, SEQ), 0, VOCAB, dtype=jnp.int32)
    word_emb = jax.random.normal(k2, (VOCAB, EMBED), dtype=jnp.float32)
    pos_emb = jax.random.normal(k3, (MAXLEN, EMBED), dtype=jnp.float32)
    return {"x": x, "word_emb": word_emb, "pos_emb": pos_emb}

def reference(x, word_emb, pos_emb):
    N, seq_len = x.shape
    positions = jnp.arange(seq_len)
    out_word = jnp.take(word_emb, x, axis=0)              # [N, seq_len, EMBED]
    out_pos = jnp.take(pos_emb, positions, axis=0)        # [seq_len, EMBED]
    out_pos = jnp.broadcast_to(out_pos[None, :, :], (N, seq_len, EMBED))
    return out_word + out_pos

if __name__ == "__main__":
    import jax
    _d = setup_inputs()
    print(jax.jit(kernel)(*tuple(_d.values())))

</pallas_src>

<mosaic_0001>
#map = affine_map<(d0, d1) -> (0, 0, 0, 0)>
#map1 = affine_map<(d0, d1) -> (0, 0)>
module attributes {stable_mosaic.version = 14 : i64} {
  func.func @_body(%arg0: i32, %arg1: i32, %arg2: memref<32x64x4x100xi32, #tpu.memory_space<hbm>>, %arg3: memref<1000000x64xf32, #tpu.memory_space<hbm>>, %arg4: memref<200x64xf32, #tpu.memory_space<hbm>>, %arg5: memref<819200x64xf32, #tpu.memory_space<hbm>>, %arg6: memref<4x4x100xi32, #tpu.memory_space<vmem>>, %arg7: memref<200x64xf32, #tpu.memory_space<vmem>>, %arg8: memref<!tpu.dma_semaphore, #tpu.memory_space<semaphore_mem>>, %arg9: memref<400x64xf32, #tpu.memory_space<vmem>>, %arg10: memref<400x64xf32, #tpu.memory_space<vmem>>, %arg11: memref<400x64xf32, #tpu.memory_space<vmem>>, %arg12: memref<400x64xf32, #tpu.memory_space<vmem>>, %arg13: memref<!tpu.dma_semaphore, #tpu.memory_space<semaphore_mem>>, %arg14: memref<!tpu.dma_semaphore, #tpu.memory_space<semaphore_mem>>, %arg15: memref<!tpu.dma_semaphore, #tpu.memory_space<semaphore_mem>>, %arg16: memref<!tpu.dma_semaphore, #tpu.memory_space<semaphore_mem>>, %arg17: memref<!tpu.dma_semaphore, #tpu.memory_space<semaphore_mem>>, %arg18: memref<!tpu.dma_semaphore, #tpu.memory_space<semaphore_mem>>, %arg19: memref<!tpu.dma_semaphore, #tpu.memory_space<semaphore_mem>>, %arg20: memref<!tpu.dma_semaphore, #tpu.memory_space<semaphore_mem>>) attributes {dimension_semantics = [#tpu.dimension_semantics<core_parallel>, #tpu.dimension_semantics<subcore_parallel>], iteration_bounds = array<i64: 2, 16>, scalar_prefetch = 0 : i64, scratch_operands = 15 : i64, tpu.core_type = #tpu.core_type<sc_vector_subcore>, window_params = [{transform_indices = #map}, {transform_indices = #map1}, {transform_indices = #map1}, {transform_indices = #map1}]} {
    %mul3A = arith.constant 2 : i32
    %mul3A_0 = arith.muli %arg1, %mul3A : i32
    %add3A = arith.addi %mul3A_0, %arg0 : i32
    %mul3A_1 = arith.constant 25600 : i32
    %mul3A_2 = arith.muli %add3A, %mul3A_1 : i32
    "tpu.region"() ({
      %run_scoped3A = tpu.sem_alloc : memref<!tpu.dma_semaphore, #tpu.memory_space<semaphore_mem>>
      tpu.enqueue_dma source(%arg4 : memref<200x64xf32, #tpu.memory_space<hbm>>) target(%arg7 : memref<200x64xf32, #tpu.memory_space<vmem>>) target_semaphore(%run_scoped3A : memref<!tpu.dma_semaphore, #tpu.memory_space<semaphore_mem>>)
      tpu.wait_dma2 semaphore(%run_scoped3A : memref<!tpu.dma_semaphore, #tpu.memory_space<semaphore_mem>>) src(%arg4 : memref<200x64xf32, #tpu.memory_space<hbm>>) dst(%arg7 : memref<200x64xf32, #tpu.memory_space<vmem>>)
      tpu.yield
    }) : () -> ()
    %scan3A = arith.constant 0 : i32
    %scan3A_3 = arith.constant 0 : i32
    %scan3A_4 = arith.constant 16 : i32
    %scan3A_5 = arith.addi %scan3A_3, %scan3A_4 : i32
    %scan3A_6 = arith.constant 1 : i32
    scf.for %scan3A_8 = %scan3A_3 to %scan3A_5 step %scan3A_6  : i32 {
      %mul3A_9 = arith.constant 4 : i32
      %mul3A_10 = arith.muli %scan3A_8, %mul3A_9 : i32
      %dma_start3A = arith.constant 0 : i32
      %dma_start3A_11 = arith.constant 0 : i32
      %dma_start3A_12 = tpu.memref_slice %arg2[%add3A, %mul3A_10, %dma_start3A, %dma_start3A_11] : memref<32x64x4x100xi32, #tpu.memory_space<hbm>> -> memref<1x4x4x100xi32, #tpu.memory_space<hbm>>
      %dma_start3A_13 = tpu.memref_squeeze %dma_start3A_12 : memref<1x4x4x100xi32, #tpu.memory_space<hbm>> -> memref<4x4x100xi32, #tpu.memory_space<hbm>>
      %dma_start3A_14 = arith.constant 0 : i32
      %dma_start3A_15 = arith.constant 0 : i32
      %dma_start3A_16 = tpu.memref_slice %arg2[%add3A, %mul3A_10, %dma_start3A_14, %dma_start3A_15] : memref<32x64x4x100xi32, #tpu.memory_space<hbm>> -> memref<1x4x4x100xi32, #tpu.memory_space<hbm>>
      %dma_start3A_17 = tpu.memref_squeeze %dma_start3A_16 : memref<1x4x4x100xi32, #tpu.memory_space<hbm>> -> memref<4x4x100xi32, #tpu.memory_space<hbm>>
      tpu.enqueue_dma source(%dma_start3A_17 : memref<4x4x100xi32, #tpu.memory_space<hbm>>) target(%arg6 : memref<4x4x100xi32, #tpu.memory_space<vmem>>) target_semaphore(%arg8 : memref<!tpu.dma_semaphore, #tpu.memory_space<semaphore_mem>>)
      %dma_wait3A = arith.constant 0 : i32
      %dma_wait3A_18 = arith.constant 0 : i32
      %dma_wait3A_19 = tpu.memref_slice %arg2[%add3A, %mul3A_10, %dma_wait3A, %dma_wait3A_18] : memref<32x64x4x100xi32, #tpu.memory_space<hbm>> -> memref<1x4x4x100xi32, #tpu.memory_space<hbm>>
      %dma_wait3A_20 = tpu.memref_squeeze %dma_wait3A_19 : memref<1x4x4x100xi32, #tpu.memory_space<hbm>> -> memref<4x4x100xi32, #tpu.memory_space<hbm>>
      %dma_wait3A_21 = arith.constant 0 : i32
      %dma_wait3A_22 = arith.constant 0 : i32
      %dma_wait3A_23 = tpu.memref_slice %arg2[%add3A, %mul3A_10, %dma_wait3A_21, %dma_wait3A_22] : memref<32x64x4x100xi32, #tpu.memory_space<hbm>> -> memref<1x4x4x100xi32, #tpu.memory_space<hbm>>
      %dma_wait3A_24 = tpu.memref_squeeze %dma_wait3A_23 : memref<1x4x4x100xi32, #tpu.memory_space<hbm>> -> memref<4x4x100xi32, #tpu.memory_space<hbm>>
      tpu.wait_dma2 semaphore(%arg8 : memref<!tpu.dma_semaphore, #tpu.memory_space<semaphore_mem>>) src(%dma_wait3A_24 : memref<4x4x100xi32, #tpu.memory_space<hbm>>) dst(%arg6 : memref<4x4x100xi32, #tpu.memory_space<vmem>>)
      %dma_start3A_25 = arith.constant 0 : i32
      %dma_start3A_26 = arith.constant 0 : i32
      %dma_start3A_27 = arith.constant 0 : i32
      %dma_start3A_28 = arith.constant 0 : i32
      %dma_start3A_29 = tpu.memref_slice %arg9[%dma_start3A_27, %dma_start3A_28] : memref<400x64xf32, #tpu.memory_space<vmem>> -> memref<100x64xf32, #tpu.memory_space<vmem>>
      %dma_start3A_30 = arith.constant 0 : i32
      %dma_start3A_31 = tpu.memref_slice %arg6[%dma_start3A_25, %dma_start3A_26, %dma_start3A_30] : memref<4x4x100xi32, #tpu.memory_space<vmem>> -> memref<1x1x100xi32, #tpu.memory_space<vmem>>
      %dma_start3A_32 = tpu.memref_squeeze %dma_start3A_31 : memref<1x1x100xi32, #tpu.memory_space<vmem>> -> memref<100xi32, #tpu.memory_space<vmem>>
      %dma_start3A_33 = arith.constant 0 : i32
      %dma_start3A_34 = arith.constant 0 : i32
      %dma_start3A_35 = tpu.memref_slice %arg3[%dma_start3A_33, %dma_start3A_34] : memref<1000000x64xf32, #tpu.memory_space<hbm>> -> memref<1000000x64xf32, #tpu.memory_space<hbm>>
      tpu.enqueue_indirect_dma source(%dma_start3A_35 : memref<1000000x64xf32, #tpu.memory_space<hbm>>) target(%dma_start3A_29 : memref<100x64xf32, #tpu.memory_space<vmem>>) offsets(%dma_start3A_32 : memref<100xi32, #tpu.memory_space<vmem>>) semaphore(%arg13 : memref<!tpu.dma_semaphore, #tpu.memory_space<semaphore_mem>>)
      %dma_start3A_36 = arith.constant 0 : i32
      %dma_start3A_37 = arith.constant 1 : i32
      %dma_start3A_38 = arith.constant 100 : i32
      %dma_start3A_39 = arith.constant 0 : i32
      %dma_start3A_40 = tpu.memref_slice %arg9[%dma_start3A_38, %dma_start3A_39] : memref<400x64xf32, #tpu.memory_space<vmem>> -> memref<100x64xf32, #tpu.memory_space<vmem>>
      %dma_start3A_41 = arith.constant 0 : i32
      %dma_start3A_42 = tpu.memref_slice %arg6[%dma_start3A_36, %dma_start3A_37, %dma_start3A_41] : memref<4x4x100xi32, #tpu.memory_space<vmem>> -> memref<1x1x100xi32, #tpu.memory_space<vmem>>
      %dma_start3A_43 = tpu.memref_squeeze %dma_start3A_42 : memref<1x1x100xi32, #tpu.memory_space<vmem>> -> memref<100xi32, #tpu.memory_space<vmem>>
      %dma_start3A_44 = arith.constant 0 : i32
      %dma_start3A_45 = arith.constant 0 : i32
      %dma_start3A_46 = tpu.memref_slice %arg3[%dma_start3A_44, %dma_start3A_45] : memref<1000000x64xf32, #tpu.memory_space<hbm>> -> memref<1000000x64xf32, #tpu.memory_space<hbm>>
      tpu.enqueue_indirect_dma source(%dma_start3A_46 : memref<1000000x64xf32, #tpu.memory_space<hbm>>) target(%dma_start3A_40 : memref<100x64xf32, #tpu.memory_space<vmem>>) offsets(%dma_start3A_43 : memref<100xi32, #tpu.memory_space<vmem>>) semaphore(%arg13 : memref<!tpu.dma_semaphore, #tpu.memory_space<semaphore_mem>>)
      %dma_start3A_47 = arith.constant 0 : i32
      %dma_start3A_48 = arith.constant 2 : i32
      %dma_start3A_49 = arith.constant 200 : i32
      %dma_start3A_50 = arith.constant 0 : i32
      %dma_start3A_51 = tpu.memref_slice %arg9[%dma_start3A_49, %dma_start3A_50] : memref<400x64xf32, #tpu.memory_space<vmem>> -> memref<100x64xf32, #tpu.memory_space<vmem>>
      %dma_start3A_52 = arith.constant 0 : i32
      %dma_start3A_53 = tpu.memref_slice %arg6[%dma_start3A_47, %dma_start3A_48, %dma_start3A_52] : memref<4x4x100xi32, #tpu.memory_space<vmem>> -> memref<1x1x100xi32, #tpu.memory_space<vmem>>
      %dma_start3A_54 = tpu.memref_squeeze %dma_start3A_53 : memref<1x1x100xi32, #tpu.memory_space<vmem>> -> memref<100xi32, #tpu.memory_space<vmem>>
      %dma_start3A_55 = arith.constant 0 : i32
      %dma_start3A_56 = arith.constant 0 : i32
      %dma_start3A_57 = tpu.memref_slice %arg3[%dma_start3A_55, %dma_start3A_56] : memref<1000000x64xf32, #tpu.memory_space<hbm>> -> memref<1000000x64xf32, #tpu.memory_space<hbm>>
      tpu.enqueue_indirect_dma source(%dma_start3A_57 : memref<1000000x64xf32, #tpu.memory_space<hbm>>) target(%dma_start3A_51 : memref<100x64xf32, #tpu.memory_space<vmem>>) offsets(%dma_start3A_54 : memref<100xi32, #tpu.memory_space<vmem>>) semaphore(%arg13 : memref<!tpu.dma_semaphore, #tpu.memory_space<semaphore_mem>>)
      %dma_start3A_58 = arith.constant 0 : i32
      %dma_start3A_59 = arith.constant 3 : i32
      %dma_start3A_60 = arith.constant 300 : i32
      %dma_start3A_61 = arith.constant 0 : i32
      %dma_start3A_62 = tpu.memref_slice %arg9[%dma_start3A_60, %dma_start3A_61] : memref<400x64xf32, #tpu.memory_space<vmem>> -> memref<100x64xf32, #tpu.memory_space<vmem>>
      %dma_start3A_63 = arith.constant 0 : i32
      %dma_start3A_64 = tpu.memref_slice %arg6[%dma_start3A_58, %dma_start3A_59, %dma_start3A_63] : memref<4x4x100xi32, #tpu.memory_space<vmem>> -> memref<1x1x100xi32, #tpu.memory_space<vmem>>
      %dma_start3A_65 = tpu.memref_squeeze %dma_start3A_64 : memref<1x1x100xi32, #tpu.memory_space<vmem>> -> memref<100xi32, #tpu.memory_space<vmem>>
      %dma_start3A_66 = arith.constant 0 : i32
      %dma_start3A_67 = arith.constant 0 : i32
      %dma_start3A_68 = tpu.memref_slice %arg3[%dma_start3A_66, %dma_start3A_67] : memref<1000000x64xf32, #tpu.memory_space<hbm>> -> memref<1000000x64xf32, #tpu.memory_space<hbm>>
      tpu.enqueue_indirect_dma source(%dma_start3A_68 : memref<1000000x64xf32, #tpu.memory_space<hbm>>) target(%dma_start3A_62 : memref<100x64xf32, #tpu.memory_space<vmem>>) offsets(%dma_start3A_65 : memref<100xi32, #tpu.memory_space<vmem>>) semaphore(%arg13 : memref<!tpu.dma_semaphore, #tpu.memory_space<semaphore_mem>>)
      %dma_start3A_69 = arith.constant 1 : i32
      %dma_start3A_70 = arith.constant 0 : i32
      %dma_start3A_71 = arith.constant 0 : i32
      %dma_start3A_72 = arith.constant 0 : i32
      %dma_start3A_73 = tpu.memref_slice %arg10[%dma_start3A_71, %dma_start3A_72] : memref<400x64xf32, #tpu.memory_space<vmem>> -> memref<100x64xf32, #tpu.memory_space<vmem>>
      %dma_start3A_74 = arith.constant 0 : i32
      %dma_start3A_75 = tpu.memref_slice %arg6[%dma_start3A_69, %dma_start3A_70, %dma_start3A_74] : memref<4x4x100xi32, #tpu.memory_space<vmem>> -> memref<1x1x100xi32, #tpu.memory_space<vmem>>
      %dma_start3A_76 = tpu.memref_squeeze %dma_start3A_75 : memref<1x1x100xi32, #tpu.memory_space<vmem>> -> memref<100xi32, #tpu.memory_space<vmem>>
      %dma_start3A_77 = arith.constant 0 : i32
      %dma_start3A_78 = arith.constant 0 : i32
      %dma_start3A_79 = tpu.memref_slice %arg3[%dma_start3A_77, %dma_start3A_78] : memref<1000000x64xf32, #tpu.memory_space<hbm>> -> memref<1000000x64xf32, #tpu.memory_space<hbm>>
      tpu.enqueue_indirect_dma source(%dma_start3A_79 : memref<1000000x64xf32, #tpu.memory_space<hbm>>) target(%dma_start3A_73 : memref<100x64xf32, #tpu.memory_space<vmem>>) offsets(%dma_start3A_76 : memref<100xi32, #tpu.memory_space<vmem>>) semaphore(%arg14 : memref<!tpu.dma_semaphore, #tpu.memory_space<semaphore_mem>>)
      %dma_start3A_80 = arith.constant 1 : i32
      %dma_start3A_81 = arith.constant 1 : i32
      %dma_start3A_82 = arith.constant 100 : i32
      %dma_start3A_83 = arith.constant 0 : i32
      %dma_start3A_84 = tpu.memref_slice %arg10[%dma_start3A_82, %dma_start3A_83] : memref<400x64xf32, #tpu.memory_space<vmem>> -> memref<100x64xf32, #tpu.memory_space<vmem>>
      %dma_start3A_85 = arith.constant 0 : i32
      %dma_start3A_86 = tpu.memref_slice %arg6[%dma_start3A_80, %dma_start3A_81, %dma_start3A_85] : memref<4x4x100xi32, #tpu.memory_space<vmem>> -> memref<1x1x100xi32, #tpu.memory_space<vmem>>
      %dma_start3A_87 = tpu.memref_squeeze %dma_start3A_86 : memref<1x1x100xi32, #tpu.memory_space<vmem>> -> memref<100xi32, #tpu.memory_space<vmem>>
      %dma_start3A_88 = arith.constant 0 : i32
      %dma_start3A_89 = arith.constant 0 : i32
      %dma_start3A_90 = tpu.memref_slice %arg3[%dma_start3A_88, %dma_start3A_89] : memref<1000000x64xf32, #tpu.memory_space<hbm>> -> memref<1000000x64xf32, #tpu.memory_space<hbm>>
      tpu.enqueue_indirect_dma source(%dma_start3A_90 : memref<1000000x64xf32, #tpu.memory_space<hbm>>) target(%dma_start3A_84 : memref<100x64xf32, #tpu.memory_space<vmem>>) offsets(%dma_start3A_87 : memref<100xi32, #tpu.memory_space<vmem>>) semaphore(%arg14 : memref<!tpu.dma_semaphore, #tpu.memory_space<semaphore_mem>>)
      %dma_start3A_91 = arith.constant 1 : i32
      %dma_start3A_92 = arith.constant 2 : i32
      %dma_start3A_93 = arith.constant 200 : i32
      %dma_start3A_94 = arith.constant 0 : i32
      %dma_start3A_95 = tpu.memref_slice %arg10[%dma_start3A_93, %dma_start3A_94] : memref<400x64xf32, #tpu.memory_space<vmem>> -> memref<100x64xf32, #tpu.memory_space<vmem>>
      %dma_start3A_96 = arith.constant 0 : i32
      %dma_start3A_97 = tpu.memref_slice %arg6[%dma_start3A_91, %dma_start3A_92, %dma_start3A_96] : memref<4x4x100xi32, #tpu.memory_space<vmem>> -> memref<1x1x100xi32, #tpu.memory_space<vmem>>
      %dma_start3A_98 = tpu.memref_squeeze %dma_start3A_97 : memref<1x1x100xi32, #tpu.memory_space<vmem>> -> memref<100xi32, #tpu.memory_space<vmem>>
      %dma_start3A_99 = arith.constant 0 : i32
      %dma_start3A_100 = arith.constant 0 : i32
      %dma_start3A_101 = tpu.memref_slice %arg3[%dma_start3A_99, %dma_start3A_100] : memref<1000000x64xf32, #tpu.memory_space<hbm>> -> memref<1000000x64xf32, #tpu.memory_space<hbm>>
      tpu.enqueue_indirect_dma source(%dma_start3A_101 : memref<1000000x64xf32, #tpu.memory_space<hbm>>) target(%dma_start3A_95 : memref<100x64xf32, #tpu.memory_space<vmem>>) offsets(%dma_start3A_98 : memref<100xi32, #tpu.memory_space<vmem>>) semaphore(%arg14 : memref<!tpu.dma_semaphore, #tpu.memory_space<semaphore_mem>>)
      %dma_start3A_102 = arith.constant 1 : i32
      %dma_start3A_103 = arith.constant 3 : i32
      %dma_start3A_104 = arith.constant 300 : i32
      %dma_start3A_105 = arith.constant 0 : i32
      %dma_start3A_106 = tpu.memref_slice %arg10[%dma_start3A_104, %dma_start3A_105] : memref<400x64xf32, #tpu.memory_space<vmem>> -> memref<100x64xf32, #tpu.memory_space<vmem>>
      %dma_start3A_107 = arith.constant 0 : i32
      %dma_start3A_108 = tpu.memref_slice %arg6[%dma_start3A_102, %dma_start3A_103, %dma_start3A_107] : memref<4x4x100xi32, #tpu.memory_space<vmem>> -> memref<1x1x100xi32, #tpu.memory_space<vmem>>
      %dma_start3A_109 = tpu.memref_squeeze %dma_start3A_108 : memref<1x1x100xi32, #tpu.memory_space<vmem>> -> memref<100xi32, #tpu.memory_space<vmem>>
      %dma_start3A_110 = arith.constant 0 : i32
      %dma_start3A_111 = arith.constant 0 : i32
      %dma_start3A_112 = tpu.memref_slice %arg3[%dma_start3A_110, %dma_start3A_111] : memref<1000000x64xf32, #tpu.memory_space<hbm>> -> memref<1000000x64xf32, #tpu.memory_space<hbm>>
      tpu.enqueue_indirect_dma source(%dma_start3A_112 : memref<1000000x64xf32, #tpu.memory_space<hbm>>) target(%dma_start3A_106 : memref<100x64xf32, #tpu.memory_space<vmem>>) offsets(%dma_start3A_109 : memref<100xi32, #tpu.memory_space<vmem>>) semaphore(%arg14 : memref<!tpu.dma_semaphore, #tpu.memory_space<semaphore_mem>>)
      %dma_start3A_113 = arith.constant 2 : i32
      %dma_start3A_114 = arith.constant 0 : i32
      %dma_start3A_115 = arith.constant 0 : i32
      %dma_start3A_116 = arith.constant 0 : i32
      %dma_start3A_117 = tpu.memref_slice %arg11[%dma_start3A_115, %dma_start3A_116] : memref<400x64xf32, #tpu.memory_space<vmem>> -> memref<100x64xf32, #tpu.memory_space<vmem>>
      %dma_start3A_118 = arith.constant 0 : i32
      %dma_start3A_119 = tpu.memref_slice %arg6[%dma_start3A_113, %dma_start3A_114, %dma_start3A_118] : memref<4x4x100xi32, #tpu.memory_space<vmem>> -> memref<1x1x100xi32, #tpu.memory_space<vmem>>
      %dma_start3A_120 = tpu.memref_squeeze %dma_start3A_119 : memref<1x1x100xi32, #tpu.memory_space<vmem>> -> memref<100xi32, #tpu.memory_space<vmem>>
      %dma_start3A_121 = arith.constant 0 : i32
      %dma_start3A_122 = arith.constant 0 : i32
      %dma_start3A_123 = tpu.memref_slice %arg3[%dma_start3A_121, %dma_start3A_122] : memref<1000000x64xf32, #tpu.memory_space<hbm>> -> memref<1000000x64xf32, #tpu.memory_space<hbm>>
      tpu.enqueue_indirect_dma source(%dma_start3A_123 : memref<1000000x64xf32, #tpu.memory_space<hbm>>) target(%dma_start3A_117 : memref<100x64xf32, #tpu.memory_space<vmem>>) offsets(%dma_start3A_120 : memref<100xi32, #tpu.memory_space<vmem>>) semaphore(%arg15 : memref<!tpu.dma_semaphore, #tpu.memory_space<semaphore_mem>>)
      %dma_start3A_124 = arith.constant 2 : i32
      %dma_start3A_125 = arith.constant 1 : i32
      %dma_start3A_126 = arith.constant 100 : i32
      %dma_start3A_127 = arith.constant 0 : i32
      %dma_start3A_128 = tpu.memref_slice %arg11[%dma_start3A_126, %dma_start3A_127] : memref<400x64xf32, #tpu.memory_space<vmem>> -> memref<100x64xf32, #tpu.memory_space<vmem>>
      %dma_start3A_129 = arith.constant 0 : i32
      %dma_start3A_130 = tpu.memref_slice %arg6[%dma_start3A_124, %dma_start3A_125, %dma_start3A_129] : memref<4x4x100xi32, #tpu.memory_space<vmem>> -> memref<1x1x100xi32, #tpu.memory_space<vmem>>
      %dma_start3A_131 = tpu.memref_squeeze %dma_start3A_130 : memref<1x1x100xi32, #tpu.memory_space<vmem>> -> memref<100xi32, #tpu.memory_space<vmem>>
      %dma_start3A_132 = arith.constant 0 : i32
      %dma_start3A_133 = arith.constant 0 : i32
      %dma_start3A_134 = tpu.memref_slice %arg3[%dma_start3A_132, %dma_start3A_133] : memref<1000000x64xf32, #tpu.memory_space<hbm>> -> memref<1000000x64xf32, #tpu.memory_space<hbm>>
      tpu.enqueue_indirect_dma source(%dma_start3A_134 : memref<1000000x64xf32, #tpu.memory_space<hbm>>) target(%dma_start3A_128 : memref<100x64xf32, #tpu.memory_space<vmem>>) offsets(%dma_start3A_131 : memref<100xi32, #tpu.memory_space<vmem>>) semaphore(%arg15 : memref<!tpu.dma_semaphore, #tpu.memory_space<semaphore_mem>>)
      %dma_start3A_135 = arith.constant 2 : i32
      %dma_start3A_136 = arith.constant 2 : i32
      %dma_start3A_137 = arith.constant 200 : i32
      %dma_start3A_138 = arith.constant 0 : i32
      %dma_start3A_139 = tpu.memref_slice %arg11[%dma_start3A_137, %dma_start3A_138] : memref<400x64xf32, #tpu.memory_space<vmem>> -> memref<100x64xf32, #tpu.memory_space<vmem>>
      %dma_start3A_140 = arith.constant 0 : i32
      %dma_start3A_141 = tpu.memref_slice %arg6[%dma_start3A_135, %dma_start3A_136, %dma_start3A_140] : memref<4x4x100xi32, #tpu.memory_space<vmem>> -> memref<1x1x100xi32, #tpu.memory_space<vmem>>
      %dma_start3A_142 = tpu.memref_squeeze %dma_start3A_141 : memref<1x1x100xi32, #tpu.memory_space<vmem>> -> memref<100xi32, #tpu.memory_space<vmem>>
      %dma_start3A_143 = arith.constant 0 : i32
      %dma_start3A_144 = arith.constant 0 : i32
      %dma_start3A_145 = tpu.memref_slice %arg3[%dma_start3A_143, %dma_start3A_144] : memref<1000000x64xf32, #tpu.memory_space<hbm>> -> memref<1000000x64xf32, #tpu.memory_space<hbm>>
      tpu.enqueue_indirect_dma source(%dma_start3A_145 : memref<1000000x64xf32, #tpu.memory_space<hbm>>) target(%dma_start3A_139 : memref<100x64xf32, #tpu.memory_space<vmem>>) offsets(%dma_start3A_142 : memref<100xi32, #tpu.memory_space<vmem>>) semaphore(%arg15 : memref<!tpu.dma_semaphore, #tpu.memory_space<semaphore_mem>>)
      %dma_start3A_146 = arith.constant 2 : i32
      %dma_start3A_147 = arith.constant 3 : i32
      %dma_start3A_148 = arith.constant 300 : i32
      %dma_start3A_149 = arith.constant 0 : i32
      %dma_start3A_150 = tpu.memref_slice %arg11[%dma_start3A_148, %dma_start3A_149] : memref<400x64xf32, #tpu.memory_space<vmem>> -> memref<100x64xf32, #tpu.memory_space<vmem>>
      %dma_start3A_151 = arith.constant 0 : i32
      %dma_start3A_152 = tpu.memref_slice %arg6[%dma_start3A_146, %dma_start3A_147, %dma_start3A_151] : memref<4x4x100xi32, #tpu.memory_space<vmem>> -> memref<1x1x100xi32, #tpu.memory_space<vmem>>
      %dma_start3A_153 = tpu.memref_squeeze %dma_start3A_152 : memref<1x1x100xi32, #tpu.memory_space<vmem>> -> memref<100xi32, #tpu.memory_space<vmem>>
      %dma_start3A_154 = arith.constant 0 : i32
      %dma_start3A_155 = arith.constant 0 : i32
      %dma_start3A_156 = tpu.memref_slice %arg3[%dma_start3A_154, %dma_start3A_155] : memref<1000000x64xf32, #tpu.memory_space<hbm>> -> memref<1000000x64xf32, #tpu.memory_space<hbm>>
      tpu.enqueue_indirect_dma source(%dma_start3A_156 : memref<1000000x64xf32, #tpu.memory_space<hbm>>) target(%dma_start3A_150 : memref<100x64xf32, #tpu.memory_space<vmem>>) offsets(%dma_start3A_153 : memref<100xi32, #tpu.memory_space<vmem>>) semaphore(%arg15 : memref<!tpu.dma_semaphore, #tpu.memory_space<semaphore_mem>>)
      %dma_start3A_157 = arith.constant 3 : i32
      %dma_start3A_158 = arith.constant 0 : i32
      %dma_start3A_159 = arith.constant 0 : i32
      %dma_start3A_160 = arith.constant 0 : i32
      %dma_start3A_161 = tpu.memref_slice %arg12[%dma_start3A_159, %dma_start3A_160] : memref<400x64xf32, #tpu.memory_space<vmem>> -> memref<100x64xf32, #tpu.memory_space<vmem>>
      %dma_start3A_162 = arith.constant 0 : i32
      %dma_start3A_163 = tpu.memref_slice %arg6[%dma_start3A_157, %dma_start3A_158, %dma_start3A_162] : memref<4x4x100xi32, #tpu.memory_space<vmem>> -> memref<1x1x100xi32, #tpu.memory_space<vmem>>
      %dma_start3A_164 = tpu.memref_squeeze %dma_start3A_163 : memref<1x1x100xi32, #tpu.memory_space<vmem>> -> memref<100xi32, #tpu.memory_space<vmem>>
      %dma_start3A_165 = arith.constant 0 : i32
      %dma_start3A_166 = arith.constant 0 : i32
      %dma_start3A_167 = tpu.memref_slice %arg3[%dma_start3A_165, %dma_start3A_166] : memref<1000000x64xf32, #tpu.memory_space<hbm>> -> memref<1000000x64xf32, #tpu.memory_space<hbm>>
      tpu.enqueue_indirect_dma source(%dma_start3A_167 : memref<1000000x64xf32, #tpu.memory_space<hbm>>) target(%dma_start3A_161 : memref<100x64xf32, #tpu.memory_space<vmem>>) offsets(%dma_start3A_164 : memref<100xi32, #tpu.memory_space<vmem>>) semaphore(%arg16 : memref<!tpu.dma_semaphore, #tpu.memory_space<semaphore_mem>>)
      %dma_start3A_168 = arith.constant 3 : i32
      %dma_start3A_169 = arith.constant 1 : i32
      %dma_start3A_170 = arith.constant 100 : i32
      %dma_start3A_171 = arith.constant 0 : i32
      %dma_start3A_172 = tpu.memref_slice %arg12[%dma_start3A_170, %dma_start3A_171] : memref<400x64xf32, #tpu.memory_space<vmem>> -> memref<100x64xf32, #tpu.memory_space<vmem>>
      %dma_start3A_173 = arith.constant 0 : i32
      %dma_start3A_174 = tpu.memref_slice %arg6[%dma_start3A_168, %dma_start3A_169, %dma_start3A_173] : memref<4x4x100xi32, #tpu.memory_space<vmem>> -> memref<1x1x100xi32, #tpu.memory_space<vmem>>
      %dma_start3A_175 = tpu.memref_squeeze %dma_start3A_174 : memref<1x1x100xi32, #tpu.memory_space<vmem>> -> memref<100xi32, #tpu.memory_space<vmem>>
      %dma_start3A_176 = arith.constant 0 : i32
      %dma_start3A_177 = arith.constant 0 : i32
      %dma_start3A_178 = tpu.memref_slice %arg3[%dma_start3A_176, %dma_start3A_177] : memref<1000000x64xf32, #tpu.memory_space<hbm>> -> memref<1000000x64xf32, #tpu.memory_space<hbm>>
      tpu.enqueue_indirect_dma source(%dma_start3A_178 : memref<1000000x64xf32, #tpu.memory_space<hbm>>) target(%dma_start3A_172 : memref<100x64xf32, #tpu.memory_space<vmem>>) offsets(%dma_start3A_175 : memref<100xi32, #tpu.memory_space<vmem>>) semaphore(%arg16 : memref<!tpu.dma_semaphore, #tpu.memory_space<semaphore_mem>>)
      %dma_start3A_179 = arith.constant 3 : i32
      %dma_start3A_180 = arith.constant 2 : i32
      %dma_start3A_181 = arith.constant 200 : i32
      %dma_start3A_182 = arith.constant 0 : i32
      %dma_start3A_183 = tpu.memref_slice %arg12[%dma_start3A_181, %dma_start3A_182] : memref<400x64xf32, #tpu.memory_space<vmem>> -> memref<100x64xf32, #tpu.memory_space<vmem>>
      %dma_start3A_184 = arith.constant 0 : i32
      %dma_start3A_185 = tpu.memref_slice %arg6[%dma_start3A_179, %dma_start3A_180, %dma_start3A_184] : memref<4x4x100xi32, #tpu.memory_space<vmem>> -> memref<1x1x100xi32, #tpu.memory_space<vmem>>
      %dma_start3A_186 = tpu.memref_squeeze %dma_start3A_185 : memref<1x1x100xi32, #tpu.memory_space<vmem>> -> memref<100xi32, #tpu.memory_space<vmem>>
      %dma_start3A_187 = arith.constant 0 : i32
      %dma_start3A_188 = arith.constant 0 : i32
      %dma_start3A_189 = tpu.memref_slice %arg3[%dma_start3A_187, %dma_start3A_188] : memref<1000000x64xf32, #tpu.memory_space<hbm>> -> memref<1000000x64xf32, #tpu.memory_space<hbm>>
      tpu.enqueue_indirect_dma source(%dma_start3A_189 : memref<1000000x64xf32, #tpu.memory_space<hbm>>) target(%dma_start3A_183 : memref<100x64xf32, #tpu.memory_space<vmem>>) offsets(%dma_start3A_186 : memref<100xi32, #tpu.memory_space<vmem>>) semaphore(%arg16 : memref<!tpu.dma_semaphore, #tpu.memory_space<semaphore_mem>>)
      %dma_start3A_190 = arith.constant 3 : i32
      %dma_start3A_191 = arith.constant 3 : i32
      %dma_start3A_192 = arith.constant 300 : i32
      %dma_start3A_193 = arith.constant 0 : i32
      %dma_start3A_194 = tpu.memref_slice %arg12[%dma_start3A_192, %dma_start3A_193] : memref<400x64xf32, #tpu.memory_space<vmem>> -> memref<100x64xf32, #tpu.memory_space<vmem>>
      %dma_start3A_195 = arith.constant 0 : i32
      %dma_start3A_196 = tpu.memref_slice %arg6[%dma_start3A_190, %dma_start3A_191, %dma_start3A_195] : memref<4x4x100xi32, #tpu.memory_space<vmem>> -> memref<1x1x100xi32, #tpu.memory_space<vmem>>
      %dma_start3A_197 = tpu.memref_squeeze %dma_start3A_196 : memref<1x1x100xi32, #tpu.memory_space<vmem>> -> memref<100xi32, #tpu.memory_space<vmem>>
      %dma_start3A_198 = arith.constant 0 : i32
      %dma_start3A_199 = arith.constant 0 : i32
      %dma_start3A_200 = tpu.memref_slice %arg3[%dma_start3A_198, %dma_start3A_199] : memref<1000000x64xf32, #tpu.memory_space<hbm>> -> memref<1000000x64xf32, #tpu.memory_space<hbm>>
      tpu.enqueue_indirect_dma source(%dma_start3A_200 : memref<1000000x64xf32, #tpu.memory_space<hbm>>) target(%dma_start3A_194 : memref<100x64xf32, #tpu.memory_space<vmem>>) offsets(%dma_start3A_197 : memref<100xi32, #tpu.memory_space<vmem>>) semaphore(%arg16 : memref<!tpu.dma_semaphore, #tpu.memory_space<semaphore_mem>>)
      %dma_wait3A_201 = arith.constant 0 : i32
      %dma_wait3A_202 = arith.constant 0 : i32
      %dma_wait3A_203 = arith.constant 0 : i32
      %dma_wait3A_204 = arith.constant 0 : i32
      %dma_wait3A_205 = tpu.memref_slice %arg9[%dma_wait3A_203, %dma_wait3A_204] : memref<400x64xf32, #tpu.memory_space<vmem>> -> memref<100x64xf32, #tpu.memory_space<vmem>>
      %dma_wait3A_206 = arith.constant 0 : i32
      %dma_wait3A_207 = tpu.memref_slice %arg6[%dma_wait3A_201, %dma_wait3A_202, %dma_wait3A_206] : memref<4x4x100xi32, #tpu.memory_space<vmem>> -> memref<1x1x100xi32, #tpu.memory_space<vmem>>
      %dma_wait3A_208 = tpu.memref_squeeze %dma_wait3A_207 : memref<1x1x100xi32, #tpu.memory_space<vmem>> -> memref<100xi32, #tpu.memory_space<vmem>>
      %dma_wait3A_209 = arith.constant 0 : i32
      %dma_wait3A_210 = arith.constant 0 : i32
      %dma_wait3A_211 = tpu.memref_slice %arg3[%dma_wait3A_209, %dma_wait3A_210] : memref<1000000x64xf32, #tpu.memory_space<hbm>> -> memref<1000000x64xf32, #tpu.memory_space<hbm>>
      tpu.wait_indirect_dma semaphore(%arg13 : memref<!tpu.dma_semaphore, #tpu.memory_space<semaphore_mem>>) src(%dma_wait3A_211 : memref<1000000x64xf32, #tpu.memory_space<hbm>>) dst(%dma_wait3A_205 : memref<100x64xf32, #tpu.memory_space<vmem>>)
      %dma_wait3A_212 = arith.constant 0 : i32
      %dma_wait3A_213 = arith.constant 1 : i32
      %dma_wait3A_214 = arith.constant 100 : i32
      %dma_wait3A_215 = arith.constant 0 : i32
      %dma_wait3A_216 = tpu.memref_slice %arg9[%dma_wait3A_214, %dma_wait3A_215] : memref<400x64xf32, #tpu.memory_space<vmem>> -> memref<100x64xf32, #tpu.memory_space<vmem>>
      %dma_wait3A_217 = arith.constant 0 : i32
      %dma_wait3A_218 = tpu.memref_slice %arg6[%dma_wait3A_212, %dma_wait3A_213, %dma_wait3A_217] : memref<4x4x100xi32, #tpu.memory_space<vmem>> -> memref<1x1x100xi32, #tpu.memory_space<vmem>>
      %dma_wait3A_219 = tpu.memref_squeeze %dma_wait3A_218 : memref<1x1x100xi32, #tpu.memory_space<vmem>> -> memref<100xi32, #tpu.memory_space<vmem>>
      %dma_wait3A_220 = arith.constant 0 : i32
      %dma_wait3A_221 = arith.constant 0 : i32
      %dma_wait3A_222 = tpu.memref_slice %arg3[%dma_wait3A_220, %dma_wait3A_221] : memref<1000000x64xf32, #tpu.memory_space<hbm>> -> memref<1000000x64xf32, #tpu.memory_space<hbm>>
      tpu.wait_indirect_dma semaphore(%arg13 : memref<!tpu.dma_semaphore, #tpu.memory_space<semaphore_mem>>) src(%dma_wait3A_222 : memref<1000000x64xf32, #tpu.memory_space<hbm>>) dst(%dma_wait3A_216 : memref<100x64xf32, #tpu.memory_space<vmem>>)
      %dma_wait3A_223 = arith.constant 0 : i32
      %dma_wait3A_224 = arith.constant 2 : i32
      %dma_wait3A_225 = arith.constant 200 : i32
      %dma_wait3A_226 = arith.constant 0 : i32
      %dma_wait3A_227 = tpu.memref_slice %arg9[%dma_wait3A_225, %dma_wait3A_226] : memref<400x64xf32, #tpu.memory_space<vmem>> -> memref<100x64xf32, #tpu.memory_space<vmem>>
      %dma_wait3A_228 = arith.constant 0 : i32
      %dma_wait3A_229 = tpu.memref_slice %arg6[%dma_wait3A_223, %dma_wait3A_224, %dma_wait3A_228] : memref<4x4x100xi32, #tpu.memory_space<vmem>> -> memref<1x1x100xi32, #tpu.memory_space<vmem>>
      %dma_wait3A_230 = tpu.memref_squeeze %dma_wait3A_229 : memref<1x1x100xi32, #tpu.memory_space<vmem>> -> memref<100xi32, #tpu.memory_space<vmem>>
      %dma_wait3A_231 = arith.constant 0 : i32
      %dma_wait3A_232 = arith.constant 0 : i32
      %dma_wait3A_233 = tpu.memref_slice %arg3[%dma_wait3A_231, %dma_wait3A_232] : memref<1000000x64xf32, #tpu.memory_space<hbm>> -> memref<1000000x64xf32, #tpu.memory_space<hbm>>
      tpu.wait_indirect_dma semaphore(%arg13 : memref<!tpu.dma_semaphore, #tpu.memory_space<semaphore_mem>>) src(%dma_wait3A_233 : memref<1000000x64xf32, #tpu.memory_space<hbm>>) dst(%dma_wait3A_227 : memref<100x64xf32, #tpu.memory_space<vmem>>)
      %dma_wait3A_234 = arith.constant 0 : i32
      %dma_wait3A_235 = arith.constant 3 : i32
      %dma_wait3A_236 = arith.constant 300 : i32
      %dma_wait3A_237 = arith.constant 0 : i32
      %dma_wait3A_238 = tpu.memref_slice %arg9[%dma_wait3A_236, %dma_wait3A_237] : memref<400x64xf32, #tpu.memory_space<vmem>> -> memref<100x64xf32, #tpu.memory_space<vmem>>
      %dma_wait3A_239 = arith.constant 0 : i32
      %dma_wait3A_240 = tpu.memref_slice %arg6[%dma_wait3A_234, %dma_wait3A_235, %dma_wait3A_239] : memref<4x4x100xi32, #tpu.memory_space<vmem>> -> memref<1x1x100xi32, #tpu.memory_space<vmem>>
      %dma_wait3A_241 = tpu.memref_squeeze %dma_wait3A_240 : memref<1x1x100xi32, #tpu.memory_space<vmem>> -> memref<100xi32, #tpu.memory_space<vmem>>
      %dma_wait3A_242 = arith.constant 0 : i32
      %dma_wait3A_243 = arith.constant 0 : i32
      %dma_wait3A_244 = tpu.memref_slice %arg3[%dma_wait3A_242, %dma_wait3A_243] : memref<1000000x64xf32, #tpu.memory_space<hbm>> -> memref<1000000x64xf32, #tpu.memory_space<hbm>>
      tpu.wait_indirect_dma semaphore(%arg13 : memref<!tpu.dma_semaphore, #tpu.memory_space<semaphore_mem>>) src(%dma_wait3A_244 : memref<1000000x64xf32, #tpu.memory_space<hbm>>) dst(%dma_wait3A_238 : memref<100x64xf32, #tpu.memory_space<vmem>>)
      %parallel_loop3A = arith.constant 0 : i32
      %parallel_loop3A_245 = arith.constant 200 : i32
      %parallel_loop3A_246 = arith.constant 1 : i32
      scf.for %parallel_loop3A_440 = %parallel_loop3A to %parallel_loop3A_245 step %parallel_loop3A_246  : i32 {
        %parallel_loop3A_441 = arith.constant 0 : i32
        %parallel_loop3A_442 = arith.addi %parallel_loop3A_441, %parallel_loop3A_440 : i32
        %parallel_loop3A_443 = arith.index_cast %parallel_loop3A_442 : i32 to index
        %parallel_loop3A_444 = arith.constant 0 : index
        %parallel_loop3A_445 = tpu.vector_load %arg9[%parallel_loop3A_443, %parallel_loop3A_444] {strides = array<i32>} : memref<400x64xf32, #tpu.memory_space<vmem>>, vector<1x16xf32>,
        %parallel_loop3A_446 = vector.shape_cast %parallel_loop3A_445 : vector<1x16xf32> to vector<16xf32>
        %parallel_loop3A_447 = arith.index_cast %parallel_loop3A_440 : i32 to index
        %parallel_loop3A_448 = arith.constant 0 : index
        %parallel_loop3A_449 = tpu.vector_load %arg7[%parallel_loop3A_447, %parallel_loop3A_448] {strides = array<i32>} : memref<200x64xf32, #tpu.memory_space<vmem>>, vector<1x16xf32>,
        %parallel_loop3A_450 = vector.shape_cast %parallel_loop3A_449 : vector<1x16xf32> to vector<16xf32>
        %parallel_loop3A_451 = arith.addf %parallel_loop3A_446, %parallel_loop3A_450 : vector<16xf32>
        %parallel_loop3A_452 = arith.constant 0 : i32
        %parallel_loop3A_453 = arith.addi %parallel_loop3A_452, %parallel_loop3A_440 : i32
        %parallel_loop3A_454 = arith.index_cast %parallel_loop3A_453 : i32 to index
        %parallel_loop3A_455 = arith.constant 0 : index
        %parallel_loop3A_456 = tpu.vector_load %arg9[%parallel_loop3A_454, %parallel_loop3A_455] {strides = array<i32>} : memref<400x64xf32, #tpu.memory_space<vmem>>, vector<1x16xf32>,
        %parallel_loop3A_457 = vector.shape_cast %parallel_loop3A_456 : vector<1x16xf32> to vector<16xf32>
        %parallel_loop3A_458 = vector.shape_cast %parallel_loop3A_451 : vector<16xf32> to vector<1x16xf32>
        tpu.vector_store %arg9[%parallel_loop3A_454, %parallel_loop3A_455], %parallel_loop3A_458 {strides = array<i32>} : memref<400x64xf32, #tpu.memory_space<vmem>>, vector<1x16xf32>,
        %parallel_loop3A_459 = arith.constant 0 : i32
        %parallel_loop3A_460 = arith.addi %parallel_loop3A_459, %parallel_loop3A_440 : i32
        %parallel_loop3A_461 = arith.index_cast %parallel_loop3A_460 : i32 to index
        %parallel_loop3A_462 = arith.constant 16 : index
        %parallel_loop3A_463 = tpu.vector_load %arg9[%parallel_loop3A_461, %parallel_loop3A_462] {strides = array<i32>} : memref<400x64xf32, #tpu.memory_space<vmem>>, vector<1x16xf32>,
        %parallel_loop3A_464 = vector.shape_cast %parallel_loop3A_463 : vector<1x16xf32> to vector<16xf32>
        %parallel_loop3A_465 = arith.index_cast %parallel_loop3A_440 : i32 to index
        %parallel_loop3A_466 = arith.constant 16 : index
        %parallel_loop3A_467 = tpu.vector_load %arg7[%parallel_loop3A_465, %parallel_loop3A_466] {strides = array<i32>} : memref<200x64xf32, #tpu.memory_space<vmem>>, vector<1x16xf32>,
        %parallel_loop3A_468 = vector.shape_cast %parallel_loop3A_467 : vector<1x16xf32> to vector<16xf32>
        %parallel_loop3A_469 = arith.addf %parallel_loop3A_464, %parallel_loop3A_468 : vector<16xf32>
        %parallel_loop3A_470 = arith.constant 0 : i32
        %parallel_loop3A_471 = arith.addi %parallel_loop3A_470, %parallel_loop3A_440 : i32
        %parallel_loop3A_472 = arith.index_cast %parallel_loop3A_471 : i32 to index
        %parallel_loop3A_473 = arith.constant 16 : index
        %parallel_loop3A_474 = tpu.vector_load %arg9[%parallel_loop3A_472, %parallel_loop3A_473] {strides = array<i32>} : memref<400x64xf32, #tpu.memory_space<vmem>>, vector<1x16xf32>,
        %parallel_loop3A_475 = vector.shape_cast %parallel_loop3A_474 : vector<1x16xf32> to vector<16xf32>
        %parallel_loop3A_476 = vector.shape_cast %parallel_loop3A_469 : vector<16xf32> to vector<1x16xf32>
        tpu.vector_store %arg9[%parallel_loop3A_472, %parallel_loop3A_473], %parallel_loop3A_476 {strides = array<i32>} : memref<400x64xf32, #tpu.memory_space<vmem>>, vector<1x16xf32>,
        %parallel_loop3A_477 = arith.constant 0 : i32
        %parallel_loop3A_478 = arith.addi %parallel_loop3A_477, %parallel_loop3A_440 : i32
        %parallel_loop3A_479 = arith.index_cast %parallel_loop3A_478 : i32 to index
        %parallel_loop3A_480 = arith.constant 32 : index
        %parallel_loop3A_481 = tpu.vector_load %arg9[%parallel_loop3A_479, %parallel_loop3A_480] {strides = array<i32>} : memref<400x64xf32, #tpu.memory_space<vmem>>, vector<1x16xf32>,
        %parallel_loop3A_482 = vector.shape_cast %parallel_loop3A_481 : vector<1x16xf32> to vector<16xf32>
        %parallel_loop3A_483 = arith.index_cast %parallel_loop3A_440 : i32 to index
        %parallel_loop3A_484 = arith.constant 32 : index
        %parallel_loop3A_485 = tpu.vector_load %arg7[%parallel_loop3A_483, %parallel_loop3A_484] {strides = array<i32>} : memref<200x64xf32, #tpu.memory_space<vmem>>, vector<1x16xf32>,
        %parallel_loop3A_486 = vector.shape_cast %parallel_loop3A_485 : vector<1x16xf32> to vector<16xf32>
        %parallel_loop3A_487 = arith.addf %parallel_loop3A_482, %parallel_loop3A_486 : vector<16xf32>
        %parallel_loop3A_488 = arith.constant 0 : i32
        %parallel_loop3A_489 = arith.addi %parallel_loop3A_488, %parallel_loop3A_440 : i32
        %parallel_loop3A_490 = arith.index_cast %parallel_loop3A_489 : i32 to index
        %parallel_loop3A_491 = arith.constant 32 : index
        %parallel_loop3A_492 = tpu.vector_load %arg9[%parallel_loop3A_490, %parallel_loop3A_491] {strides = array<i32>} : memref<400x64xf32, #tpu.memory_space<vmem>>, vector<1x16xf32>,
        %parallel_loop3A_493 = vector.shape_cast %parallel_loop3A_492 : vector<1x16xf32> to vector<16xf32>
        %parallel_loop3A_494 = vector.shape_cast %parallel_loop3A_487 : vector<16xf32> to vector<1x16xf32>
        tpu.vector_store %arg9[%parallel_loop3A_490, %parallel_loop3A_491], %parallel_loop3A_494 {strides = array<i32>} : memref<400x64xf32, #tpu.memory_space<vmem>>, vector<1x16xf32>,
        %parallel_loop3A_495 = arith.constant 0 : i32
        %parallel_loop3A_496 = arith.addi %parallel_loop3A_495, %parallel_loop3A_440 : i32
        %parallel_loop3A_497 = arith.index_cast %parallel_loop3A_496 : i32 to index
        %parallel_loop3A_498 = arith.constant 48 : index
        %parallel_loop3A_499 = tpu.vector_load %arg9[%parallel_loop3A_497, %parallel_loop3A_498] {strides = array<i32>} : memref<400x64xf32, #tpu.memory_space<vmem>>, vector<1x16xf32>,
        %parallel_loop3A_500 = vector.shape_cast %parallel_loop3A_499 : vector<1x16xf32> to vector<16xf32>
        %parallel_loop3A_501 = arith.index_cast %parallel_loop3A_440 : i32 to index
        %parallel_loop3A_502 = arith.constant 48 : index
        %parallel_loop3A_503 = tpu.vector_load %arg7[%parallel_loop3A_501, %parallel_loop3A_502] {strides = array<i32>} : memref<200x64xf32, #tpu.memory_space<vmem>>, vector<1x16xf32>,
        %parallel_loop3A_504 = vector.shape_cast %parallel_loop3A_503 : vector<1x16xf32> to vector<16xf32>
        %parallel_loop3A_505 = arith.addf %parallel_loop3A_500, %parallel_loop3A_504 : vector<16xf32>
        %parallel_loop3A_506 = arith.constant 0 : i32
        %parallel_loop3A_507 = arith.addi %parallel_loop3A_506, %parallel_loop3A_440 : i32
        %parallel_loop3A_508 = arith.index_cast %parallel_loop3A_507 : i32 to index
        %parallel_loop3A_509 = arith.constant 48 : index
        %parallel_loop3A_510 = tpu.vector_load %arg9[%parallel_loop3A_508, %parallel_loop3A_509] {strides = array<i32>} : memref<400x64xf32, #tpu.memory_space<vmem>>, vector<1x16xf32>,
        %parallel_loop3A_511 = vector.shape_cast %parallel_loop3A_510 : vector<1x16xf32> to vector<16xf32>
        %parallel_loop3A_512 = vector.shape_cast %parallel_loop3A_505 : vector<16xf32> to vector<1x16xf32>
        tpu.vector_store %arg9[%parallel_loop3A_508, %parallel_loop3A_509], %parallel_loop3A_512 {strides = array<i32>} : memref<400x64xf32, #tpu.memory_space<vmem>>, vector<1x16xf32>,
        %parallel_loop3A_513 = arith.constant 200 : i32
        %parallel_loop3A_514 = arith.addi %parallel_loop3A_513, %parallel_loop3A_440 : i32
        %parallel_loop3A_515 = arith.index_cast %parallel_loop3A_514 : i32 to index
        %parallel_loop3A_516 = arith.constant 0 : index
        %parallel_loop3A_517 = tpu.vector_load %arg9[%parallel_loop3A_515, %parallel_loop3A_516] {strides = array<i32>} : memref<400x64xf32, #tpu.memory_space<vmem>>, vector<1x16xf32>,
        %parallel_loop3A_518 = vector.shape_cast %parallel_loop3A_517 : vector<1x16xf32> to vector<16xf32>
        %parallel_loop3A_519 = arith.index_cast %parallel_loop3A_440 : i32 to index
        %parallel_loop3A_520 = arith.constant 0 : index
        %parallel_loop3A_521 = tpu.vector_load %arg7[%parallel_loop3A_519, %parallel_loop3A_520] {strides = array<i32>} : memref<200x64xf32, #tpu.memory_space<vmem>>, vector<1x16xf32>,
        %parallel_loop3A_522 = vector.shape_cast %parallel_loop3A_521 : vector<1x16xf32> to vector<16xf32>
        %parallel_loop3A_523 = arith.addf %parallel_loop3A_518, %parallel_loop3A_522 : vector<16xf32>
        %parallel_loop3A_524 = arith.constant 200 : i32
        %parallel_loop3A_525 = arith.addi %parallel_loop3A_524, %parallel_loop3A_440 : i32
        %parallel_loop3A_526 = arith.index_cast %parallel_loop3A_525 : i32 to index
        %parallel_loop3A_527 = arith.constant 0 : index
        %parallel_loop3A_528 = tpu.vector_load %arg9[%parallel_loop3A_526, %parallel_loop3A_527] {strides = array<i32>} : memref<400x64xf32, #tpu.memory_space<vmem>>, vector<1x16xf32>,
        %parallel_loop3A_529 = vector.shape_cast %parallel_loop3A_528 : vector<1x16xf32> to vector<16xf32>
        %parallel_loop3A_530 = vector.shape_cast %parallel_loop3A_523 : vector<16xf32> to vector<1x16xf32>
        tpu.vector_store %arg9[%parallel_loop3A_526, %parallel_loop3A_527], %parallel_loop3A_530 {strides = array<i32>} : memref<400x64xf32, #tpu.memory_space<vmem>>, vector<1x16xf32>,
        %parallel_loop3A_531 = arith.constant 200 : i32
        %parallel_loop3A_532 = arith.addi %parallel_loop3A_531, %parallel_loop3A_440 : i32
        %parallel_loop3A_533 = arith.index_cast %parallel_loop3A_532 : i32 to index
        %parallel_loop3A_534 = arith.constant 16 : index
        %parallel_loop3A_535 = tpu.vector_load %arg9[%parallel_loop3A_533, %parallel_loop3A_534] {strides = array<i32>} : memref<400x64xf32, #tpu.memory_space<vmem>>, vector<1x16xf32>,
        %parallel_loop3A_536 = vector.shape_cast %parallel_loop3A_535 : vector<1x16xf32> to vector<16xf32>
        %parallel_loop3A_537 = arith.index_cast %parallel_loop3A_440 : i32 to index
        %parallel_loop3A_538 = arith.constant 16 : index
        %parallel_loop3A_539 = tpu.vector_load %arg7[%parallel_loop3A_537, %parallel_loop3A_538] {strides = array<i32>} : memref<200x64xf32, #tpu.memory_space<vmem>>, vector<1x16xf32>,
        %parallel_loop3A_540 = vector.shape_cast %parallel_loop3A_539 : vector<1x16xf32> to vector<16xf32>
        %parallel_loop3A_541 = arith.addf %parallel_loop3A_536, %parallel_loop3A_540 : vector<16xf32>
        %parallel_loop3A_542 = arith.constant 200 : i32
        %parallel_loop3A_543 = arith.addi %parallel_loop3A_542, %parallel_loop3A_440 : i32
        %parallel_loop3A_544 = arith.index_cast %parallel_loop3A_543 : i32 to index
        %parallel_loop3A_545 = arith.constant 16 : index
        %parallel_loop3A_546 = tpu.vector_load %arg9[%parallel_loop3A_544, %parallel_loop3A_545] {strides = array<i32>} : memref<400x64xf32, #tpu.memory_space<vmem>>, vector<1x16xf32>,
        %parallel_loop3A_547 = vector.shape_cast %parallel_loop3A_546 : vector<1x16xf32> to vector<16xf32>
        %parallel_loop3A_548 = vector.shape_cast %parallel_loop3A_541 : vector<16xf32> to vector<1x16xf32>
        tpu.vector_store %arg9[%parallel_loop3A_544, %parallel_loop3A_545], %parallel_loop3A_548 {strides = array<i32>} : memref<400x64xf32, #tpu.memory_space<vmem>>, vector<1x16xf32>,
        %parallel_loop3A_549 = arith.constant 200 : i32
        %parallel_loop3A_550 = arith.addi %parallel_loop3A_549, %parallel_loop3A_440 : i32
        %parallel_loop3A_551 = arith.index_cast %parallel_loop3A_550 : i32 to index
        %parallel_loop3A_552 = arith.constant 32 : index
        %parallel_loop3A_553 = tpu.vector_load %arg9[%parallel_loop3A_551, %parallel_loop3A_552] {strides = array<i32>} : memref<400x64xf32, #tpu.memory_space<vmem>>, vector<1x16xf32>,
        %parallel_loop3A_554 = vector.shape_cast %parallel_loop3A_553 : vector<1x16xf32> to vector<16xf32>
        %parallel_loop3A_555 = arith.index_cast %parallel_loop3A_440 : i32 to index
        %parallel_loop3A_556 = arith.constant 32 : index
        %parallel_loop3A_557 = tpu.vector_load %arg7[%parallel_loop3A_555, %parallel_loop3A_556] {strides = array<i32>} : memref<200x64xf32, #tpu.memory_space<vmem>>, vector<1x16xf32>,
        %parallel_loop3A_558 = vector.shape_cast %parallel_loop3A_557 : vector<1x16xf32> to vector<16xf32>
        %parallel_loop3A_559 = arith.addf %parallel_loop3A_554, %parallel_loop3A_558 : vector<16xf32>
        %parallel_loop3A_560 = arith.constant 200 : i32
        %parallel_loop3A_561 = arith.addi %parallel_loop3A_560, %parallel_loop3A_440 : i32
        %parallel_loop3A_562 = arith.index_cast %parallel_loop3A_561 : i32 to index
        %parallel_loop3A_563 = arith.constant 32 : index
        %parallel_loop3A_564 = tpu.vector_load %arg9[%parallel_loop3A_562, %parallel_loop3A_563] {strides = array<i32>} : memref<400x64xf32, #tpu.memory_space<vmem>>, vector<1x16xf32>,
        %parallel_loop3A_565 = vector.shape_cast %parallel_loop3A_564 : vector<1x16xf32> to vector<16xf32>
        %parallel_loop3A_566 = vector.shape_cast %parallel_loop3A_559 : vector<16xf32> to vector<1x16xf32>
        tpu.vector_store %arg9[%parallel_loop3A_562, %parallel_loop3A_563], %parallel_loop3A_566 {strides = array<i32>} : memref<400x64xf32, #tpu.memory_space<vmem>>, vector<1x16xf32>,
        %parallel_loop3A_567 = arith.constant 200 : i32
        %parallel_loop3A_568 = arith.addi %parallel_loop3A_567, %parallel_loop3A_440 : i32
        %parallel_loop3A_569 = arith.index_cast %parallel_loop3A_568 : i32 to index
        %parallel_loop3A_570 = arith.constant 48 : index
        %parallel_loop3A_571 = tpu.vector_load %arg9[%parallel_loop3A_569, %parallel_loop3A_570] {strides = array<i32>} : memref<400x64xf32, #tpu.memory_space<vmem>>, vector<1x16xf32>,
        %parallel_loop3A_572 = vector.shape_cast %parallel_loop3A_571 : vector<1x16xf32> to vector<16xf32>
        %parallel_loop3A_573 = arith.index_cast %parallel_loop3A_440 : i32 to index
        %parallel_loop3A_574 = arith.constant 48 : index
        %parallel_loop3A_575 = tpu.vector_load %arg7[%parallel_loop3A_573, %parallel_loop3A_574] {strides = array<i32>} : memref<200x64xf32, #tpu.memory_space<vmem>>, vector<1x16xf32>,
        %parallel_loop3A_576 = vector.shape_cast %parallel_loop3A_575 : vector<1x16xf32> to vector<16xf32>
        %parallel_loop3A_577 = arith.addf %parallel_loop3A_572, %parallel_loop3A_576 : vector<16xf32>
        %parallel_loop3A_578 = arith.constant 200 : i32
        %parallel_loop3A_579 = arith.addi %parallel_loop3A_578, %parallel_loop3A_440 : i32
        %parallel_loop3A_580 = arith.index_cast %parallel_loop3A_579 : i32 to index
        %parallel_loop3A_581 = arith.constant 48 : index
        %parallel_loop3A_582 = tpu.vector_load %arg9[%parallel_loop3A_580, %parallel_loop3A_581] {strides = array<i32>} : memref<400x64xf32, #tpu.memory_space<vmem>>, vector<1x16xf32>,
        %parallel_loop3A_583 = vector.shape_cast %parallel_loop3A_582 : vector<1x16xf32> to vector<16xf32>
        %parallel_loop3A_584 = vector.shape_cast %parallel_loop3A_577 : vector<16xf32> to vector<1x16xf32>
        tpu.vector_store %arg9[%parallel_loop3A_580, %parallel_loop3A_581], %parallel_loop3A_584 {strides = array<i32>} : memref<400x64xf32, #tpu.memory_space<vmem>>, vector<1x16xf32>,
      } {sc.loop_unroll_factor = 4 : i64, sc.parallel_access}
      %add3A_247 = arith.constant 0 : i32
      %add3A_248 = arith.addi %mul3A_10, %add3A_247 : i32
      %mul3A_249 = arith.constant 400 : i32
      %mul3A_250 = arith.muli %add3A_248, %mul3A_249 : i32
      %add3A_251 = arith.addi %mul3A_2, %mul3A_250 : i32
      %dma_start3A_252 = arith.constant 0 : i32
      %dma_start3A_253 = tpu.memref_slice %arg5[%add3A_251, %dma_start3A_252] : memref<819200x64xf32, #tpu.memory_space<hbm>> -> memref<400x64xf32, #tpu.memory_space<hbm>>
      %dma_start3A_254 = arith.constant 0 : i32
      %dma_start3A_255 = tpu.memref_slice %arg5[%add3A_251, %dma_start3A_254] : memref<819200x64xf32, #tpu.memory_space<hbm>> -> memref<400x64xf32, #tpu.memory_space<hbm>>
      tpu.enqueue_dma source(%arg9 : memref<400x64xf32, #tpu.memory_space<vmem>>) target(%dma_start3A_255 : memref<400x64xf32, #tpu.memory_space<hbm>>) target_semaphore(%arg17 : memref<!tpu.dma_semaphore, #tpu.memory_space<semaphore_mem>>)
      %dma_wait3A_256 = arith.constant 1 : i32
      %dma_wait3A_257 = arith.constant 0 : i32
      %dma_wait3A_258 = arith.constant 0 : i32
      %dma_wait3A_259 = arith.constant 0 : i32
      %dma_wait3A_260 = tpu.memref_slice %arg10[%dma_wait3A_258, %dma_wait3A_259] : memref<400x64xf32, #tpu.memory_space<vmem>> -> memref<100x64xf32, #tpu.memory_space<vmem>>
      %dma_wait3A_261 = arith.constant 0 : i32
      %dma_wait3A_262 = tpu.memref_slice %arg6[%dma_wait3A_256, %dma_wait3A_257, %dma_wait3A_261] : memref<4x4x100xi32, #tpu.memory_space<vmem>> -> memref<1x1x100xi32, #tpu.memory_space<vmem>>
      %dma_wait3A_263 = tpu.memref_squeeze %dma_wait3A_262 : memref<1x1x100xi32, #tpu.memory_space<vmem>> -> memref<100xi32, #tpu.memory_space<vmem>>
      %dma_wait3A_264 = arith.constant 0 : i32
      %dma_wait3A_265 = arith.constant 0 : i32
      %dma_wait3A_266 = tpu.memref_slice %arg3[%dma_wait3A_264, %dma_wait3A_265] : memref<1000000x64xf32, #tpu.memory_space<hbm>> -> memref<1000000x64xf32, #tpu.memory_space<hbm>>
      tpu.wait_indirect_dma semaphore(%arg14 : memref<!tpu.dma_semaphore, #tpu.memory_space<semaphore_mem>>) src(%dma_wait3A_266 : memref<1000000x64xf32, #tpu.memory_space<hbm>>) dst(%dma_wait3A_260 : memref<100x64xf32, #tpu.memory_space<vmem>>)
      %dma_wait3A_267 = arith.constant 1 : i32
      %dma_wait3A_268 = arith.constant 1 : i32
      %dma_wait3A_269 = arith.constant 100 : i32
      %dma_wait3A_270 = arith.constant 0 : i32
      %dma_wait3A_271 = tpu.memref_slice %arg10[%dma_wait3A_269, %dma_wait3A_270] : memref<400x64xf32, #tpu.memory_space<vmem>> -> memref<100x64xf32, #tpu.memory_space<vmem>>
      %dma_wait3A_272 = arith.constant 0 : i32
      %dma_wait3A_273 = tpu.memref_slice %arg6[%dma_wait3A_267, %dma_wait3A_268, %dma_wait3A_272] : memref<4x4x100xi32, #tpu.memory_space<vmem>> -> memref<1x1x100xi32, #tpu.memory_space<vmem>>
      %dma_wait3A_274 = tpu.memref_squeeze %dma_wait3A_273 : memref<1x1x100xi32, #tpu.memory_space<vmem>> -> memref<100xi32, #tpu.memory_space<vmem>>
      %dma_wait3A_275 = arith.constant 0 : i32
      %dma_wait3A_276 = arith.constant 0 : i32
      %dma_wait3A_277 = tpu.memref_slice %arg3[%dma_wait3A_275, %dma_wait3A_276] : memref<1000000x64xf32, #tpu.memory_space<hbm>> -> memref<1000000x64xf32, #tpu.memory_space<hbm>>
      tpu.wait_indirect_dma semaphore(%arg14 : memref<!tpu.dma_semaphore, #tpu.memory_space<semaphore_mem>>) src(%dma_wait3A_277 : memref<1000000x64xf32, #tpu.memory_space<hbm>>) dst(%dma_wait3A_271 : memref<100x64xf32, #tpu.memory_space<vmem>>)
      %dma_wait3A_278 = arith.constant 1 : i32
      %dma_wait3A_279 = arith.constant 2 : i32
      %dma_wait3A_280 = arith.constant 200 : i32
      %dma_wait3A_281 = arith.constant 0 : i32
      %dma_wait3A_282 = tpu.memref_slice %arg10[%dma_wait3A_280, %dma_wait3A_281] : memref<400x64xf32, #tpu.memory_space<vmem>> -> memref<100x64xf32, #tpu.memory_space<vmem>>
      %dma_wait3A_283 = arith.constant 0 : i32
      %dma_wait3A_284 = tpu.memref_slice %arg6[%dma_wait3A_278, %dma_wait3A_279, %dma_wait3A_283] : memref<4x4x100xi32, #tpu.memory_space<vmem>> -> memref<1x1x100xi32, #tpu.memory_space<vmem>>
      %dma_wait3A_285 = tpu.memref_squeeze %dma_wait3A_284 : memref<1x1x100xi32, #tpu.memory_space<vmem>> -> memref<100xi32, #tpu.memory_space<vmem>>
      %dma_wait3A_286 = arith.constant 0 : i32
      %dma_wait3A_287 = arith.constant 0 : i32
      %dma_wait3A_288 = tpu.memref_slice %arg3[%dma_wait3A_286, %dma_wait3A_287] : memref<1000000x64xf32, #tpu.memory_space<hbm>> -> memref<1000000x64xf32, #tpu.memory_space<hbm>>
      tpu.wait_indirect_dma semaphore(%arg14 : memref<!tpu.dma_semaphore, #tpu.memory_space<semaphore_mem>>) src(%dma_wait3A_288 : memref<1000000x64xf32, #tpu.memory_space<hbm>>) dst(%dma_wait3A_282 : memref<100x64xf32, #tpu.memory_space<vmem>>)
      %dma_wait3A_289 = arith.constant 1 : i32
      %dma_wait3A_290 = arith.constant 3 : i32
      %dma_wait3A_291 = arith.constant 300 : i32
      %dma_wait3A_292 = arith.constant 0 : i32
      %dma_wait3A_293 = tpu.memref_slice %arg10[%dma_wait3A_291, %dma_wait3A_292] : memref<400x64xf32, #tpu.memory_space<vmem>> -> memref<100x64xf32, #tpu.memory_space<vmem>>
      %dma_wait3A_294 = arith.constant 0 : i32
      %dma_wait3A_295 = tpu.memref_slice %arg6[%dma_wait3A_289, %dma_wait3A_290, %dma_wait3A_294] : memref<4x4x100xi32, #tpu.memory_space<vmem>> -> memref<1x1x100xi32, #tpu.memory_space<vmem>>
      %dma_wait3A_296 = tpu.memref_squeeze %dma_wait3A_295 : memref<1x1x100xi32, #tpu.memory_space<vmem>> -> memref<100xi32, #tpu.memory_space<vmem>>
      %dma_wait3A_297 = arith.constant 0 : i32
      %dma_wait3A_298 = arith.constant 0 : i32
      %dma_wait3A_299 = tpu.memref_slice %arg3[%dma_wait3A_297, %dma_wait3A_298] : memref<1000000x64xf32, #tpu.memory_space<hbm>> -> memref<1000000x64xf32, #tpu.memory_space<hbm>>
      tpu.wait_indirect_dma semaphore(%arg14 : memref<!tpu.dma_semaphore, #tpu.memory_space<semaphore_mem>>) src(%dma_wait3A_299 : memref<1000000x64xf32, #tpu.memory_space<hbm>>) dst(%dma_wait3A_293 : memref<100x64xf32, #tpu.memory_space<vmem>>)
      %parallel_loop3A_300 = arith.constant 0 : i32
      %parallel_loop3A_301 = arith.constant 200 : i32
      %parallel_loop3A_302 = arith.constant 1 : i32
      scf.for %parallel_loop3A_440 = %parallel_loop3A_300 to %parallel_loop3A_301 step %parallel_loop3A_302  : i32 {
        %parallel_loop3A_441 = arith.constant 0 : i32
        %parallel_loop3A_442 = arith.addi %parallel_loop3A_441, %parallel_loop3A_440 : i32
        %parallel_loop3A_443 = arith.index_cast %parallel_loop3A_442 : i32 to index
        %parallel_loop3A_444 = arith.constant 0 : index
        %parallel_loop3A_445 = tpu.vector_load %arg10[%parallel_loop3A_443, %parallel_loop3A_444] {strides = array<i32>} : memref<400x64xf32, #tpu.memory_space<vmem>>, vector<1x16xf32>,
        %parallel_loop3A_446 = vector.shape_cast %parallel_loop3A_445 : vector<1x16xf32> to vector<16xf32>
        %parallel_loop3A_447 = arith.index_cast %parallel_loop3A_440 : i32 to index
        %parallel_loop3A_448 = arith.constant 0 : index
        %parallel_loop3A_449 = tpu.vector_load %arg7[%parallel_loop3A_447, %parallel_loop3A_448] {strides = array<i32>} : memref<200x64xf32, #tpu.memory_space<vmem>>, vector<1x16xf32>,
        %parallel_loop3A_450 = vector.shape_cast %parallel_loop3A_449 : vector<1x16xf32> to vector<16xf32>
        %parallel_loop3A_451 = arith.addf %parallel_loop3A_446, %parallel_loop3A_450 : vector<16xf32>
        %parallel_loop3A_452 = arith.constant 0 : i32
        %parallel_loop3A_453 = arith.addi %parallel_loop3A_452, %parallel_loop3A_440 : i32
        %parallel_loop3A_454 = arith.index_cast %parallel_loop3A_453 : i32 to index
        %parallel_loop3A_455 = arith.constant 0 : index
        %parallel_loop3A_456 = tpu.vector_load %arg10[%parallel_loop3A_454, %parallel_loop3A_455] {strides = array<i32>} : memref<400x64xf32, #tpu.memory_space<vmem>>, vector<1x16xf32>,
        %parallel_loop3A_457 = vector.shape_cast %parallel_loop3A_456 : vector<1x16xf32> to vector<16xf32>
        %parallel_loop3A_458 = vector.shape_cast %parallel_loop3A_451 : vector<16xf32> to vector<1x16xf32>
        tpu.vector_store %arg10[%parallel_loop3A_454, %parallel_loop3A_455], %parallel_loop3A_458 {strides = array<i32>} : memref<400x64xf32, #tpu.memory_space<vmem>>, vector<1x16xf32>,
        %parallel_loop3A_459 = arith.constant 0 : i32
        %parallel_loop3A_460 = arith.addi %parallel_loop3A_459, %parallel_loop3A_440 : i32
        %parallel_loop3A_461 = arith.index_cast %parallel_loop3A_460 : i32 to index
        %parallel_loop3A_462 = arith.constant 16 : index
        %parallel_loop3A_463 = tpu.vector_load %arg10[%parallel_loop3A_461, %parallel_loop3A_462] {strides = array<i32>} : memref<400x64xf32, #tpu.memory_space<vmem>>, vector<1x16xf32>,
        %parallel_loop3A_464 = vector.shape_cast %parallel_loop3A_463 : vector<1x16xf32> to vector<16xf32>
        %parallel_loop3A_465 = arith.index_cast %parallel_loop3A_440 : i32 to index
        %parallel_loop3A_466 = arith.constant 16 : index
        %parallel_loop3A_467 = tpu.vector_load %arg7[%parallel_loop3A_465, %parallel_loop3A_466] {strides = array<i32>} : memref<200x64xf32, #tpu.memory_space<vmem>>, vector<1x16xf32>,
        %parallel_loop3A_468 = vector.shape_cast %parallel_loop3A_467 : vector<1x16xf32> to vector<16xf32>
        %parallel_loop3A_469 = arith.addf %parallel_loop3A_464, %parallel_loop3A_468 : vector<16xf32>
        %parallel_loop3A_470 = arith.constant 0 : i32
        %parallel_loop3A_471 = arith.addi %parallel_loop3A_470, %parallel_loop3A_440 : i32
        %parallel_loop3A_472 = arith.index_cast %parallel_loop3A_471 : i32 to index
        %parallel_loop3A_473 = arith.constant 16 : index
        %parallel_loop3A_474 = tpu.vector_load %arg10[%parallel_loop3A_472, %parallel_loop3A_473] {strides = array<i32>} : memref<400x64xf32, #tpu.memory_space<vmem>>, vector<1x16xf32>,
        %parallel_loop3A_475 = vector.shape_cast %parallel_loop3A_474 : vector<1x16xf32> to vector<16xf32>
        %parallel_loop3A_476 = vector.shape_cast %parallel_loop3A_469 : vector<16xf32> to vector<1x16xf32>
        tpu.vector_store %arg10[%parallel_loop3A_472, %parallel_loop3A_473], %parallel_loop3A_476 {strides = array<i32>} : memref<400x64xf32, #tpu.memory_space<vmem>>, vector<1x16xf32>,
        %parallel_loop3A_477 = arith.constant 0 : i32
        %parallel_loop3A_478 = arith.addi %parallel_loop3A_477, %parallel_loop3A_440 : i32
        %parallel_loop3A_479 = arith.index_cast %parallel_loop3A_478 : i32 to index
        %parallel_loop3A_480 = arith.constant 32 : index
        %parallel_loop3A_481 = tpu.vector_load %arg10[%parallel_loop3A_479, %parallel_loop3A_480] {strides = array<i32>} : memref<400x64xf32, #tpu.memory_space<vmem>>, vector<1x16xf32>,
        %parallel_loop3A_482 = vector.shape_cast %parallel_loop3A_481 : vector<1x16xf32> to vector<16xf32>
        %parallel_loop3A_483 = arith.index_cast %parallel_loop3A_440 : i32 to index
        %parallel_loop3A_484 = arith.constant 32 : index
        %parallel_loop3A_485 = tpu.vector_load %arg7[%parallel_loop3A_483, %parallel_loop3A_484] {strides = array<i32>} : memref<200x64xf32, #tpu.memory_space<vmem>>, vector<1x16xf32>,
        %parallel_loop3A_486 = vector.shape_cast %parallel_loop3A_485 : vector<1x16xf32> to vector<16xf32>
        %parallel_loop3A_487 = arith.addf %parallel_loop3A_482, %parallel_loop3A_486 : vector<16xf32>
        %parallel_loop3A_488 = arith.constant 0 : i32
        %parallel_loop3A_489 = arith.addi %parallel_loop3A_488, %parallel_loop3A_440 : i32
        %parallel_loop3A_490 = arith.index_cast %parallel_loop3A_489 : i32 to index
        %parallel_loop3A_491 = arith.constant 32 : index
        %parallel_loop3A_492 = tpu.vector_load %arg10[%parallel_loop3A_490, %parallel_loop3A_491] {strides = array<i32>} : memref<400x64xf32, #tpu.memory_space<vmem>>, vector<1x16xf32>,
        %parallel_loop3A_493 = vector.shape_cast %parallel_loop3A_492 : vector<1x16xf32> to vector<16xf32>
        %parallel_loop3A_494 = vector.shape_cast %parallel_loop3A_487 : vector<16xf32> to vector<1x16xf32>
        tpu.vector_store %arg10[%parallel_loop3A_490, %parallel_loop3A_491], %parallel_loop3A_494 {strides = array<i32>} : memref<400x64xf32, #tpu.memory_space<vmem>>, vector<1x16xf32>,
        %parallel_loop3A_495 = arith.constant 0 : i32
        %parallel_loop3A_496 = arith.addi %parallel_loop3A_495, %parallel_loop3A_440 : i32
        %parallel_loop3A_497 = arith.index_cast %parallel_loop3A_496 : i32 to index
        %parallel_loop3A_498 = arith.constant 48 : index
        %parallel_loop3A_499 = tpu.vector_load %arg10[%parallel_loop3A_497, %parallel_loop3A_498] {strides = array<i32>} : memref<400x64xf32, #tpu.memory_space<vmem>>, vector<1x16xf32>,
        %parallel_loop3A_500 = vector.shape_cast %parallel_loop3A_499 : vector<1x16xf32> to vector<16xf32>
        %parallel_loop3A_501 = arith.index_cast %parallel_loop3A_440 : i32 to index
        %parallel_loop3A_502 = arith.constant 48 : index
        %parallel_loop3A_503 = tpu.vector_load %arg7[%parallel_loop3A_501, %parallel_loop3A_502] {strides = array<i32>} : memref<200x64xf32, #tpu.memory_space<vmem>>, vector<1x16xf32>,
        %parallel_loop3A_504 = vector.shape_cast %parallel_loop3A_503 : vector<1x16xf32> to vector<16xf32>
        %parallel_loop3A_505 = arith.addf %parallel_loop3A_500, %parallel_loop3A_504 : vector<16xf32>
        %parallel_loop3A_506 = arith.constant 0 : i32
        %parallel_loop3A_507 = arith.addi %parallel_loop3A_506, %parallel_loop3A_440 : i32
        %parallel_loop3A_508 = arith.index_cast %parallel_loop3A_507 : i32 to index
        %parallel_loop3A_509 = arith.constant 48 : index
        %parallel_loop3A_510 = tpu.vector_load %arg10[%parallel_loop3A_508, %parallel_loop3A_509] {strides = array<i32>} : memref<400x64xf32, #tpu.memory_space<vmem>>, vector<1x16xf32>,
        %parallel_loop3A_511 = vector.shape_cast %parallel_loop3A_510 : vector<1x16xf32> to vector<16xf32>
        %parallel_loop3A_512 = vector.shape_cast %parallel_loop3A_505 : vector<16xf32> to vector<1x16xf32>
        tpu.vector_store %arg10[%parallel_loop3A_508, %parallel_loop3A_509], %parallel_loop3A_512 {strides = array<i32>} : memref<400x64xf32, #tpu.memory_space<vmem>>, vector<1x16xf32>,
        %parallel_loop3A_513 = arith.constant 200 : i32
        %parallel_loop3A_514 = arith.addi %parallel_loop3A_513, %parallel_loop3A_440 : i32
        %parallel_loop3A_515 = arith.index_cast %parallel_loop3A_514 : i32 to index
        %parallel_loop3A_516 = arith.constant 0 : index
        %parallel_loop3A_517 = tpu.vector_load %arg10[%parallel_loop3A_515, %parallel_loop3A_516] {strides = array<i32>} : memref<400x64xf32, #tpu.memory_space<vmem>>, vector<1x16xf32>,
        %parallel_loop3A_518 = vector.shape_cast %parallel_loop3A_517 : vector<1x16xf32> to vector<16xf32>
        %parallel_loop3A_519 = arith.index_cast %parallel_loop3A_440 : i32 to index
        %parallel_loop3A_520 = arith.constant 0 : index
        %parallel_loop3A_521 = tpu.vector_load %arg7[%parallel_loop3A_519, %parallel_loop3A_520] {strides = array<i32>} : memref<200x64xf32, #tpu.memory_space<vmem>>, vector<1x16xf32>,
        %parallel_loop3A_522 = vector.shape_cast %parallel_loop3A_521 : vector<1x16xf32> to vector<16xf32>
        %parallel_loop3A_523 = arith.addf %parallel_loop3A_518, %parallel_loop3A_522 : vector<16xf32>
        %parallel_loop3A_524 = arith.constant 200 : i32
        %parallel_loop3A_525 = arith.addi %parallel_loop3A_524, %parallel_loop3A_440 : i32
        %parallel_loop3A_526 = arith.index_cast %parallel_loop3A_525 : i32 to index
        %parallel_loop3A_527 = arith.constant 0 : index
        %parallel_loop3A_528 = tpu.vector_load %arg10[%parallel_loop3A_526, %parallel_loop3A_527] {strides = array<i32>} : memref<400x64xf32, #tpu.memory_space<vmem>>, vector<1x16xf32>,
        %parallel_loop3A_529 = vector.shape_cast %parallel_loop3A_528 : vector<1x16xf32> to vector<16xf32>
        %parallel_loop3A_530 = vector.shape_cast %parallel_loop3A_523 : vector<16xf32> to vector<1x16xf32>
        tpu.vector_store %arg10[%parallel_loop3A_526, %parallel_loop3A_527], %parallel_loop3A_530 {strides = array<i32>} : memref<400x64xf32, #tpu.memory_space<vmem>>, vector<1x16xf32>,
        %parallel_loop3A_531 = arith.constant 200 : i32
        %parallel_loop3A_532 = arith.addi %parallel_loop3A_531, %parallel_loop3A_440 : i32
        %parallel_loop3A_533 = arith.index_cast %parallel_loop3A_532 : i32 to index
        %parallel_loop3A_534 = arith.constant 16 : index
        %parallel_loop3A_535 = tpu.vector_load %arg10[%parallel_loop3A_533, %parallel_loop3A_534] {strides = array<i32>} : memref<400x64xf32, #tpu.memory_space<vmem>>, vector<1x16xf32>,
        %parallel_loop3A_536 = vector.shape_cast %parallel_loop3A_535 : vector<1x16xf32> to vector<16xf32>
        %parallel_loop3A_537 = arith.index_cast %parallel_loop3A_440 : i32 to index
        %parallel_loop3A_538 = arith.constant 16 : index
        %parallel_loop3A_539 = tpu.vector_load %arg7[%parallel_loop3A_537, %parallel_loop3A_538] {strides = array<i32>} : memref<200x64xf32, #tpu.memory_space<vmem>>, vector<1x16xf32>,
        %parallel_loop3A_540 = vector.shape_cast %parallel_loop3A_539 : vector<1x16xf32> to vector<16xf32>
        %parallel_loop3A_541 = arith.addf %parallel_loop3A_536, %parallel_loop3A_540 : vector<16xf32>
        %parallel_loop3A_542 = arith.constant 200 : i32
        %parallel_loop3A_543 = arith.addi %parallel_loop3A_542, %parallel_loop3A_440 : i32
        %parallel_loop3A_544 = arith.index_cast %parallel_loop3A_543 : i32 to index
        %parallel_loop3A_545 = arith.constant 16 : index
        %parallel_loop3A_546 = tpu.vector_load %arg10[%parallel_loop3A_544, %parallel_loop3A_545] {strides = array<i32>} : memref<400x64xf32, #tpu.memory_space<vmem>>, vector<1x16xf32>,
        %parallel_loop3A_547 = vector.shape_cast %parallel_loop3A_546 : vector<1x16xf32> to vector<16xf32>
        %parallel_loop3A_548 = vector.shape_cast %parallel_loop3A_541 : vector<16xf32> to vector<1x16xf32>
        tpu.vector_store %arg10[%parallel_loop3A_544, %parallel_loop3A_545], %parallel_loop3A_548 {strides = array<i32>} : memref<400x64xf32, #tpu.memory_space<vmem>>, vector<1x16xf32>,
        %parallel_loop3A_549 = arith.constant 200 : i32
        %parallel_loop3A_550 = arith.addi %parallel_loop3A_549, %parallel_loop3A_440 : i32
        %parallel_loop3A_551 = arith.index_cast %parallel_loop3A_550 : i32 to index
        %parallel_loop3A_552 = arith.constant 32 : index
        %parallel_loop3A_553 = tpu.vector_load %arg10[%parallel_loop3A_551, %parallel_loop3A_552] {strides = array<i32>} : memref<400x64xf32, #tpu.memory_space<vmem>>, vector<1x16xf32>,
        %parallel_loop3A_554 = vector.shape_cast %parallel_loop3A_553 : vector<1x16xf32> to vector<16xf32>
        %parallel_loop3A_555 = arith.index_cast %parallel_loop3A_440 : i32 to index
        %parallel_loop3A_556 = arith.constant 32 : index
        %parallel_loop3A_557 = tpu.vector_load %arg7[%parallel_loop3A_555, %parallel_loop3A_556] {strides = array<i32>} : memref<200x64xf32, #tpu.memory_space<vmem>>, vector<1x16xf32>,
        %parallel_loop3A_558 = vector.shape_cast %parallel_loop3A_557 : vector<1x16xf32> to vector<16xf32>
        %parallel_loop3A_559 = arith.addf %parallel_loop3A_554, %parallel_loop3A_558 : vector<16xf32>
        %parallel_loop3A_560 = arith.constant 200 : i32
        %parallel_loop3A_561 = arith.addi %parallel_loop3A_560, %parallel_loop3A_440 : i32
        %parallel_loop3A_562 = arith.index_cast %parallel_loop3A_561 : i32 to index
        %parallel_loop3A_563 = arith.constant 32 : index
        %parallel_loop3A_564 = tpu.vector_load %arg10[%parallel_loop3A_562, %parallel_loop3A_563] {strides = array<i32>} : memref<400x64xf32, #tpu.memory_space<vmem>>, vector<1x16xf32>,
        %parallel_loop3A_565 = vector.shape_cast %parallel_loop3A_564 : vector<1x16xf32> to vector<16xf32>
        %parallel_loop3A_566 = vector.shape_cast %parallel_loop3A_559 : vector<16xf32> to vector<1x16xf32>
        tpu.vector_store %arg10[%parallel_loop3A_562, %parallel_loop3A_563], %parallel_loop3A_566 {strides = array<i32>} : memref<400x64xf32, #tpu.memory_space<vmem>>, vector<1x16xf32>,
        %parallel_loop3A_567 = arith.constant 200 : i32
        %parallel_loop3A_568 = arith.addi %parallel_loop3A_567, %parallel_loop3A_440 : i32
        %parallel_loop3A_569 = arith.index_cast %parallel_loop3A_568 : i32 to index
        %parallel_loop3A_570 = arith.constant 48 : index
        %parallel_loop3A_571 = tpu.vector_load %arg10[%parallel_loop3A_569, %parallel_loop3A_570] {strides = array<i32>} : memref<400x64xf32, #tpu.memory_space<vmem>>, vector<1x16xf32>,
        %parallel_loop3A_572 = vector.shape_cast %parallel_loop3A_571 : vector<1x16xf32> to vector<16xf32>
        %parallel_loop3A_573 = arith.index_cast %parallel_loop3A_440 : i32 to index
        %parallel_loop3A_574 = arith.constant 48 : index
        %parallel_loop3A_575 = tpu.vector_load %arg7[%parallel_loop3A_573, %parallel_loop3A_574] {strides = array<i32>} : memref<200x64xf32, #tpu.memory_space<vmem>>, vector<1x16xf32>,
        %parallel_loop3A_576 = vector.shape_cast %parallel_loop3A_575 : vector<1x16xf32> to vector<16xf32>
        %parallel_loop3A_577 = arith.addf %parallel_loop3A_572, %parallel_loop3A_576 : vector<16xf32>
        %parallel_loop3A_578 = arith.constant 200 : i32
        %parallel_loop3A_579 = arith.addi %parallel_loop3A_578, %parallel_loop3A_440 : i32
        %parallel_loop3A_580 = arith.index_cast %parallel_loop3A_579 : i32 to index
        %parallel_loop3A_581 = arith.constant 48 : index
        %parallel_loop3A_582 = tpu.vector_load %arg10[%parallel_loop3A_580, %parallel_loop3A_581] {strides = array<i32>} : memref<400x64xf32, #tpu.memory_space<vmem>>, vector<1x16xf32>,
        %parallel_loop3A_583 = vector.shape_cast %parallel_loop3A_582 : vector<1x16xf32> to vector<16xf32>
        %parallel_loop3A_584 = vector.shape_cast %parallel_loop3A_577 : vector<16xf32> to vector<1x16xf32>
        tpu.vector_store %arg10[%parallel_loop3A_580, %parallel_loop3A_581], %parallel_loop3A_584 {strides = array<i32>} : memref<400x64xf32, #tpu.memory_space<vmem>>, vector<1x16xf32>,
      } {sc.loop_unroll_factor = 4 : i64, sc.parallel_access}
      %add3A_303 = arith.constant 1 : i32
      %add3A_304 = arith.addi %mul3A_10, %add3A_303 : i32
      %mul3A_305 = arith.constant 400 : i32
      %mul3A_306 = arith.muli %add3A_304, %mul3A_305 : i32
      %add3A_307 = arith.addi %mul3A_2, %mul3A_306 : i32
      %dma_start3A_308 = arith.constant 0 : i32
      %dma_start3A_309 = tpu.memref_slice %arg5[%add3A_307, %dma_start3A_308] : memref<819200x64xf32, #tpu.memory_space<hbm>> -> memref<400x64xf32, #tpu.memory_space<hbm>>
      %dma_start3A_310 = arith.constant 0 : i32
      %dma_start3A_311 = tpu.memref_slice %arg5[%add3A_307, %dma_start3A_310] : memref<819200x64xf32, #tpu.memory_space<hbm>> -> memref<400x64xf32, #tpu.memory_space<hbm>>
      tpu.enqueue_dma source(%arg10 : memref<400x64xf32, #tpu.memory_space<vmem>>) target(%dma_start3A_311 : memref<400x64xf32, #tpu.memory_space<hbm>>) target_semaphore(%arg18 : memref<!tpu.dma_semaphore, #tpu.memory_space<semaphore_mem>>)
      %dma_wait3A_312 = arith.constant 2 : i32
      %dma_wait3A_313 = arith.constant 0 : i32
      %dma_wait3A_314 = arith.constant 0 : i32
      %dma_wait3A_315 = arith.constant 0 : i32
      %dma_wait3A_316 = tpu.memref_slice %arg11[%dma_wait3A_314, %dma_wait3A_315] : memref<400x64xf32, #tpu.memory_space<vmem>> -> memref<100x64xf32, #tpu.memory_space<vmem>>
      %dma_wait3A_317 = arith.constant 0 : i32
      %dma_wait3A_318 = tpu.memref_slice %arg6[%dma_wait3A_312, %dma_wait3A_313, %dma_wait3A_317] : memref<4x4x100xi32, #tpu.memory_space<vmem>> -> memref<1x1x100xi32, #tpu.memory_space<vmem>>
      %dma_wait3A_319 = tpu.memref_squeeze %dma_wait3A_318 : memref<1x1x100xi32, #tpu.memory_space<vmem>> -> memref<100xi32, #tpu.memory_space<vmem>>
      %dma_wait3A_320 = arith.constant 0 : i32
      %dma_wait3A_321 = arith.constant 0 : i32
      %dma_wait3A_322 = tpu.memref_slice %arg3[%dma_wait3A_320, %dma_wait3A_321] : memref<1000000x64xf32, #tpu.memory_space<hbm>> -> memref<1000000x64xf32, #tpu.memory_space<hbm>>
      tpu.wait_indirect_dma semaphore(%arg15 : memref<!tpu.dma_semaphore, #tpu.memory_space<semaphore_mem>>) src(%dma_wait3A_322 : memref<1000000x64xf32, #tpu.memory_space<hbm>>) dst(%dma_wait3A_316 : memref<100x64xf32, #tpu.memory_space<vmem>>)
      %dma_wait3A_323 = arith.constant 2 : i32
      %dma_wait3A_324 = arith.constant 1 : i32
      %dma_wait3A_325 = arith.constant 100 : i32
      %dma_wait3A_326 = arith.constant 0 : i32
      %dma_wait3A_327 = tpu.memref_slice %arg11[%dma_wait3A_325, %dma_wait3A_326] : memref<400x64xf32, #tpu.memory_space<vmem>> -> memref<100x64xf32, #tpu.memory_space<vmem>>
      %dma_wait3A_328 = arith.constant 0 : i32
      %dma_wait3A_329 = tpu.memref_slice %arg6[%dma_wait3A_323, %dma_wait3A_324, %dma_wait3A_328] : memref<4x4x100xi32, #tpu.memory_space<vmem>> -> memref<1x1x100xi32, #tpu.memory_space<vmem>>
      %dma_wait3A_330 = tpu.memref_squeeze %dma_wait3A_329 : memref<1x1x100xi32, #tpu.memory_space<vmem>> -> memref<100xi32, #tpu.memory_space<vmem>>
      %dma_wait3A_331 = arith.constant 0 : i32
      %dma_wait3A_332 = arith.constant 0 : i32
      %dma_wait3A_333 = tpu.memref_slice %arg3[%dma_wait3A_331, %dma_wait3A_332] : memref<1000000x64xf32, #tpu.memory_space<hbm>> -> memref<1000000x64xf32, #tpu.memory_space<hbm>>
      tpu.wait_indirect_dma semaphore(%arg15 : memref<!tpu.dma_semaphore, #tpu.memory_space<semaphore_mem>>) src(%dma_wait3A_333 : memref<1000000x64xf32, #tpu.memory_space<hbm>>) dst(%dma_wait3A_327 : memref<100x64xf32, #tpu.memory_space<vmem>>)
      %dma_wait3A_334 = arith.constant 2 : i32
      %dma_wait3A_335 = arith.constant 2 : i32
      %dma_wait3A_336 = arith.constant 200 : i32
      %dma_wait3A_337 = arith.constant 0 : i32
      %dma_wait3A_338 = tpu.memref_slice %arg11[%dma_wait3A_336, %dma_wait3A_337] : memref<400x64xf32, #tpu.memory_space<vmem>> -> memref<100x64xf32, #tpu.memory_space<vmem>>
      %dma_wait3A_339 = arith.constant 0 : i32
      %dma_wait3A_340 = tpu.memref_slice %arg6[%dma_wait3A_334, %dma_wait3A_335, %dma_wait3A_339] : memref<4x4x100xi32, #tpu.memory_space<vmem>> -> memref<1x1x100xi32, #tpu.memory_space<vmem>>
      %dma_wait3A_341 = tpu.memref_squeeze %dma_wait3A_340 : memref<1x1x100xi32, #tpu.memory_space<vmem>> -> memref<100xi32, #tpu.memory_space<vmem>>
      %dma_wait3A_342 = arith.constant 0 : i32
      %dma_wait3A_343 = arith.constant 0 : i32
      %dma_wait3A_344 = tpu.memref_slice %arg3[%dma_wait3A_342, %dma_wait3A_343] : memref<1000000x64xf32, #tpu.memory_space<hbm>> -> memref<1000000x64xf32, #tpu.memory_space<hbm>>
      tpu.wait_indirect_dma semaphore(%arg15 : memref<!tpu.dma_semaphore, #tpu.memory_space<semaphore_mem>>) src(%dma_wait3A_344 : memref<1000000x64xf32, #tpu.memory_space<hbm>>) dst(%dma_wait3A_338 : memref<100x64xf32, #tpu.memory_space<vmem>>)
      %dma_wait3A_345 = arith.constant 2 : i32
      %dma_wait3A_346 = arith.constant 3 : i32
      %dma_wait3A_347 = arith.constant 300 : i32
      %dma_wait3A_348 = arith.constant 0 : i32
      %dma_wait3A_349 = tpu.memref_slice %arg11[%dma_wait3A_347, %dma_wait3A_348] : memref<400x64xf32, #tpu.memory_space<vmem>> -> memref<100x64xf32, #tpu.memory_space<vmem>>
      %dma_wait3A_350 = arith.constant 0 : i32
      %dma_wait3A_351 = tpu.memref_slice %arg6[%dma_wait3A_345, %dma_wait3A_346, %dma_wait3A_350] : memref<4x4x100xi32, #tpu.memory_space<vmem>> -> memref<1x1x100xi32, #tpu.memory_space<vmem>>
      %dma_wait3A_352 = tpu.memref_squeeze %dma_wait3A_351 : memref<1x1x100xi32, #tpu.memory_space<vmem>> -> memref<100xi32, #tpu.memory_space<vmem>>
      %dma_wait3A_353 = arith.constant 0 : i32
      %dma_wait3A_354 = arith.constant 0 : i32
      %dma_wait3A_355 = tpu.memref_slice %arg3[%dma_wait3A_353, %dma_wait3A_354] : memref<1000000x64xf32, #tpu.memory_space<hbm>> -> memref<1000000x64xf32, #tpu.memory_space<hbm>>
      tpu.wait_indirect_dma semaphore(%arg15 : memref<!tpu.dma_semaphore, #tpu.memory_space<semaphore_mem>>) src(%dma_wait3A_355 : memref<1000000x64xf32, #tpu.memory_space<hbm>>) dst(%dma_wait3A_349 : memref<100x64xf32, #tpu.memory_space<vmem>>)
      %parallel_loop3A_356 = arith.constant 0 : i32
      %parallel_loop3A_357 = arith.constant 200 : i32
      %parallel_loop3A_358 = arith.constant 1 : i32
      scf.for %parallel_loop3A_440 = %parallel_loop3A_356 to %parallel_loop3A_357 step %parallel_loop3A_358  : i32 {
        %parallel_loop3A_441 = arith.constant 0 : i32
        %parallel_loop3A_442 = arith.addi %parallel_loop3A_441, %parallel_loop3A_440 : i32
        %parallel_loop3A_443 = arith.index_cast %parallel_loop3A_442 : i32 to index
        %parallel_loop3A_444 = arith.constant 0 : index
        %parallel_loop3A_445 = tpu.vector_load %arg11[%parallel_loop3A_443, %parallel_loop3A_444] {strides = array<i32>} : memref<400x64xf32, #tpu.memory_space<vmem>>, vector<1x16xf32>,
        %parallel_loop3A_446 = vector.shape_cast %parallel_loop3A_445 : vector<1x16xf32> to vector<16xf32>
        %parallel_loop3A_447 = arith.index_cast %parallel_loop3A_440 : i32 to index
        %parallel_loop3A_448 = arith.constant 0 : index
        %parallel_loop3A_449 = tpu.vector_load %arg7[%parallel_loop3A_447, %parallel_loop3A_448] {strides = array<i32>} : memref<200x64xf32, #tpu.memory_space<vmem>>, vector<1x16xf32>,
        %parallel_loop3A_450 = vector.shape_cast %parallel_loop3A_449 : vector<1x16xf32> to vector<16xf32>
        %parallel_loop3A_451 = arith.addf %parallel_loop3A_446, %parallel_loop3A_450 : vector<16xf32>
        %parallel_loop3A_452 = arith.constant 0 : i32
        %parallel_loop3A_453 = arith.addi %parallel_loop3A_452, %parallel_loop3A_440 : i32
        %parallel_loop3A_454 = arith.index_cast %parallel_loop3A_453 : i32 to index
        %parallel_loop3A_455 = arith.constant 0 : index
        %parallel_loop3A_456 = tpu.vector_load %arg11[%parallel_loop3A_454, %parallel_loop3A_455] {strides = array<i32>} : memref<400x64xf32, #tpu.memory_space<vmem>>, vector<1x16xf32>,
        %parallel_loop3A_457 = vector.shape_cast %parallel_loop3A_456 : vector<1x16xf32> to vector<16xf32>
        %parallel_loop3A_458 = vector.shape_cast %parallel_loop3A_451 : vector<16xf32> to vector<1x16xf32>
        tpu.vector_store %arg11[%parallel_loop3A_454, %parallel_loop3A_455], %parallel_loop3A_458 {strides = array<i32>} : memref<400x64xf32, #tpu.memory_space<vmem>>, vector<1x16xf32>,
        %parallel_loop3A_459 = arith.constant 0 : i32
        %parallel_loop3A_460 = arith.addi %parallel_loop3A_459, %parallel_loop3A_440 : i32
        %parallel_loop3A_461 = arith.index_cast %parallel_loop3A_460 : i32 to index
        %parallel_loop3A_462 = arith.constant 16 : index
        %parallel_loop3A_463 = tpu.vector_load %arg11[%parallel_loop3A_461, %parallel_loop3A_462] {strides = array<i32>} : memref<400x64xf32, #tpu.memory_space<vmem>>, vector<1x16xf32>,
        %parallel_loop3A_464 = vector.shape_cast %parallel_loop3A_463 : vector<1x16xf32> to vector<16xf32>
        %parallel_loop3A_465 = arith.index_cast %parallel_loop3A_440 : i32 to index
        %parallel_loop3A_466 = arith.constant 16 : index
        %parallel_loop3A_467 = tpu.vector_load %arg7[%parallel_loop3A_465, %parallel_loop3A_466] {strides = array<i32>} : memref<200x64xf32, #tpu.memory_space<vmem>>, vector<1x16xf32>,
        %parallel_loop3A_468 = vector.shape_cast %parallel_loop3A_467 : vector<1x16xf32> to vector<16xf32>
        %parallel_loop3A_469 = arith.addf %parallel_loop3A_464, %parallel_loop3A_468 : vector<16xf32>
        %parallel_loop3A_470 = arith.constant 0 : i32
        %parallel_loop3A_471 = arith.addi %parallel_loop3A_470, %parallel_loop3A_440 : i32
        %parallel_loop3A_472 = arith.index_cast %parallel_loop3A_471 : i32 to index
        %parallel_loop3A_473 = arith.constant 16 : index
        %parallel_loop3A_474 = tpu.vector_load %arg11[%parallel_loop3A_472, %parallel_loop3A_473] {strides = array<i32>} : memref<400x64xf32, #tpu.memory_space<vmem>>, vector<1x16xf32>,
        %parallel_loop3A_475 = vector.shape_cast %parallel_loop3A_474 : vector<1x16xf32> to vector<16xf32>
        %parallel_loop3A_476 = vector.shape_cast %parallel_loop3A_469 : vector<16xf32> to vector<1x16xf32>
        tpu.vector_store %arg11[%parallel_loop3A_472, %parallel_loop3A_473], %parallel_loop3A_476 {strides = array<i32>} : memref<400x64xf32, #tpu.memory_space<vmem>>, vector<1x16xf32>,
        %parallel_loop3A_477 = arith.constant 0 : i32
        %parallel_loop3A_478 = arith.addi %parallel_loop3A_477, %parallel_loop3A_440 : i32
        %parallel_loop3A_479 = arith.index_cast %parallel_loop3A_478 : i32 to index
        %parallel_loop3A_480 = arith.constant 32 : index
        %parallel_loop3A_481 = tpu.vector_load %arg11[%parallel_loop3A_479, %parallel_loop3A_480] {strides = array<i32>} : memref<400x64xf32, #tpu.memory_space<vmem>>, vector<1x16xf32>,
        %parallel_loop3A_482 = vector.shape_cast %parallel_loop3A_481 : vector<1x16xf32> to vector<16xf32>
        %parallel_loop3A_483 = arith.index_cast %parallel_loop3A_440 : i32 to index
        %parallel_loop3A_484 = arith.constant 32 : index
        %parallel_loop3A_485 = tpu.vector_load %arg7[%parallel_loop3A_483, %parallel_loop3A_484] {strides = array<i32>} : memref<200x64xf32, #tpu.memory_space<vmem>>, vector<1x16xf32>,
        %parallel_loop3A_486 = vector.shape_cast %parallel_loop3A_485 : vector<1x16xf32> to vector<16xf32>
        %parallel_loop3A_487 = arith.addf %parallel_loop3A_482, %parallel_loop3A_486 : vector<16xf32>
        %parallel_loop3A_488 = arith.constant 0 : i32
        %parallel_loop3A_489 = arith.addi %parallel_loop3A_488, %parallel_loop3A_440 : i32
        %parallel_loop3A_490 = arith.index_cast %parallel_loop3A_489 : i32 to index
        %parallel_loop3A_491 = arith.constant 32 : index
        %parallel_loop3A_492 = tpu.vector_load %arg11[%parallel_loop3A_490, %parallel_loop3A_491] {strides = array<i32>} : memref<400x64xf32, #tpu.memory_space<vmem>>, vector<1x16xf32>,
        %parallel_loop3A_493 = vector.shape_cast %parallel_loop3A_492 : vector<1x16xf32> to vector<16xf32>
        %parallel_loop3A_494 = vector.shape_cast %parallel_loop3A_487 : vector<16xf32> to vector<1x16xf32>
        tpu.vector_store %arg11[%parallel_loop3A_490, %parallel_loop3A_491], %parallel_loop3A_494 {strides = array<i32>} : memref<400x64xf32, #tpu.memory_space<vmem>>, vector<1x16xf32>,
        %parallel_loop3A_495 = arith.constant 0 : i32
        %parallel_loop3A_496 = arith.addi %parallel_loop3A_495, %parallel_loop3A_440 : i32
        %parallel_loop3A_497 = arith.index_cast %parallel_loop3A_496 : i32 to index
        %parallel_loop3A_498 = arith.constant 48 : index
        %parallel_loop3A_499 = tpu.vector_load %arg11[%parallel_loop3A_497, %parallel_loop3A_498] {strides = array<i32>} : memref<400x64xf32, #tpu.memory_space<vmem>>, vector<1x16xf32>,
        %parallel_loop3A_500 = vector.shape_cast %parallel_loop3A_499 : vector<1x16xf32> to vector<16xf32>
        %parallel_loop3A_501 = arith.index_cast %parallel_loop3A_440 : i32 to index
        %parallel_loop3A_502 = arith.constant 48 : index
        %parallel_loop3A_503 = tpu.vector_load %arg7[%parallel_loop3A_501, %parallel_loop3A_502] {strides = array<i32>} : memref<200x64xf32, #tpu.memory_space<vmem>>, vector<1x16xf32>,
        %parallel_loop3A_504 = vector.shape_cast %parallel_loop3A_503 : vector<1x16xf32> to vector<16xf32>
        %parallel_loop3A_505 = arith.addf %parallel_loop3A_500, %parallel_loop3A_504 : vector<16xf32>
        %parallel_loop3A_506 = arith.constant 0 : i32
        %parallel_loop3A_507 = arith.addi %parallel_loop3A_506, %parallel_loop3A_440 : i32
        %parallel_loop3A_508 = arith.index_cast %parallel_loop3A_507 : i32 to index
        %parallel_loop3A_509 = arith.constant 48 : index
        %parallel_loop3A_510 = tpu.vector_load %arg11[%parallel_loop3A_508, %parallel_loop3A_509] {strides = array<i32>} : memref<400x64xf32, #tpu.memory_space<vmem>>, vector<1x16xf32>,
        %parallel_loop3A_511 = vector.shape_cast %parallel_loop3A_510 : vector<1x16xf32> to vector<16xf32>
        %parallel_loop3A_512 = vector.shape_cast %parallel_loop3A_505 : vector<16xf32> to vector<1x16xf32>
        tpu.vector_store %arg11[%parallel_loop3A_508, %parallel_loop3A_509], %parallel_loop3A_512 {strides = array<i32>} : memref<400x64xf32, #tpu.memory_space<vmem>>, vector<1x16xf32>,
        %parallel_loop3A_513 = arith.constant 200 : i32
        %parallel_loop3A_514 = arith.addi %parallel_loop3A_513, %parallel_loop3A_440 : i32
        %parallel_loop3A_515 = arith.index_cast %parallel_loop3A_514 : i32 to index
        %parallel_loop3A_516 = arith.constant 0 : index
        %parallel_loop3A_517 = tpu.vector_load %arg11[%parallel_loop3A_515, %parallel_loop3A_516] {strides = array<i32>} : memref<400x64xf32, #tpu.memory_space<vmem>>, vector<1x16xf32>,
        %parallel_loop3A_518 = vector.shape_cast %parallel_loop3A_517 : vector<1x16xf32> to vector<16xf32>
        %parallel_loop3A_519 = arith.index_cast %parallel_loop3A_440 : i32 to index
        %parallel_loop3A_520 = arith.constant 0 : index
        %parallel_loop3A_521 = tpu.vector_load %arg7[%parallel_loop3A_519, %parallel_loop3A_520] {strides = array<i32>} : memref<200x64xf32, #tpu.memory_space<vmem>>, vector<1x16xf32>,
        %parallel_loop3A_522 = vector.shape_cast %parallel_loop3A_521 : vector<1x16xf32> to vector<16xf32>
        %parallel_loop3A_523 = arith.addf %parallel_loop3A_518, %parallel_loop3A_522 : vector<16xf32>
        %parallel_loop3A_524 = arith.constant 200 : i32
        %parallel_loop3A_525 = arith.addi %parallel_loop3A_524, %parallel_loop3A_440 : i32
        %parallel_loop3A_526 = arith.index_cast %parallel_loop3A_525 : i32 to index
        %parallel_loop3A_527 = arith.constant 0 : index
        %parallel_loop3A_528 = tpu.vector_load %arg11[%parallel_loop3A_526, %parallel_loop3A_527] {strides = array<i32>} : memref<400x64xf32, #tpu.memory_space<vmem>>, vector<1x16xf32>,
        %parallel_loop3A_529 = vector.shape_cast %parallel_loop3A_528 : vector<1x16xf32> to vector<16xf32>
        %parallel_loop3A_530 = vector.shape_cast %parallel_loop3A_523 : vector<16xf32> to vector<1x16xf32>
        tpu.vector_store %arg11[%parallel_loop3A_526, %parallel_loop3A_527], %parallel_loop3A_530 {strides = array<i32>} : memref<400x64xf32, #tpu.memory_space<vmem>>, vector<1x16xf32>,
        %parallel_loop3A_531 = arith.constant 200 : i32
        %parallel_loop3A_532 = arith.addi %parallel_loop3A_531, %parallel_loop3A_440 : i32
        %parallel_loop3A_533 = arith.index_cast %parallel_loop3A_532 : i32 to index
        %parallel_loop3A_534 = arith.constant 16 : index
        %parallel_loop3A_535 = tpu.vector_load %arg11[%parallel_loop3A_533, %parallel_loop3A_534] {strides = array<i32>} : memref<400x64xf32, #tpu.memory_space<vmem>>, vector<1x16xf32>,
        %parallel_loop3A_536 = vector.shape_cast %parallel_loop3A_535 : vector<1x16xf32> to vector<16xf32>
        %parallel_loop3A_537 = arith.index_cast %parallel_loop3A_440 : i32 to index
        %parallel_loop3A_538 = arith.constant 16 : index
        %parallel_loop3A_539 = tpu.vector_load %arg7[%parallel_loop3A_537, %parallel_loop3A_538] {strides = array<i32>} : memref<200x64xf32, #tpu.memory_space<vmem>>, vector<1x16xf32>,
        %parallel_loop3A_540 = vector.shape_cast %parallel_loop3A_539 : vector<1x16xf32> to vector<16xf32>
        %parallel_loop3A_541 = arith.addf %parallel_loop3A_536, %parallel_loop3A_540 : vector<16xf32>
        %parallel_loop3A_542 = arith.constant 200 : i32
        %parallel_loop3A_543 = arith.addi %parallel_loop3A_542, %parallel_loop3A_440 : i32
        %parallel_loop3A_544 = arith.index_cast %parallel_loop3A_543 : i32 to index
        %parallel_loop3A_545 = arith.constant 16 : index
        %parallel_loop3A_546 = tpu.vector_load %arg11[%parallel_loop3A_544, %parallel_loop3A_545] {strides = array<i32>} : memref<400x64xf32, #tpu.memory_space<vmem>>, vector<1x16xf32>,
        %parallel_loop3A_547 = vector.shape_cast %parallel_loop3A_546 : vector<1x16xf32> to vector<16xf32>
        %parallel_loop3A_548 = vector.shape_cast %parallel_loop3A_541 : vector<16xf32> to vector<1x16xf32>
        tpu.vector_store %arg11[%parallel_loop3A_544, %parallel_loop3A_545], %parallel_loop3A_548 {strides = array<i32>} : memref<400x64xf32, #tpu.memory_space<vmem>>, vector<1x16xf32>,
        %parallel_loop3A_549 = arith.constant 200 : i32
        %parallel_loop3A_550 = arith.addi %parallel_loop3A_549, %parallel_loop3A_440 : i32
        %parallel_loop3A_551 = arith.index_cast %parallel_loop3A_550 : i32 to index
        %parallel_loop3A_552 = arith.constant 32 : index
        %parallel_loop3A_553 = tpu.vector_load %arg11[%parallel_loop3A_551, %parallel_loop3A_552] {strides = array<i32>} : memref<400x64xf32, #tpu.memory_space<vmem>>, vector<1x16xf32>,
        %parallel_loop3A_554 = vector.shape_cast %parallel_loop3A_553 : vector<1x16xf32> to vector<16xf32>
        %parallel_loop3A_555 = arith.index_cast %parallel_loop3A_440 : i32 to index
        %parallel_loop3A_556 = arith.constant 32 : index
        %parallel_loop3A_557 = tpu.vector_load %arg7[%parallel_loop3A_555, %parallel_loop3A_556] {strides = array<i32>} : memref<200x64xf32, #tpu.memory_space<vmem>>, vector<1x16xf32>,
        %parallel_loop3A_558 = vector.shape_cast %parallel_loop3A_557 : vector<1x16xf32> to vector<16xf32>
        %parallel_loop3A_559 = arith.addf %parallel_loop3A_554, %parallel_loop3A_558 : vector<16xf32>
        %parallel_loop3A_560 = arith.constant 200 : i32
        %parallel_loop3A_561 = arith.addi %parallel_loop3A_560, %parallel_loop3A_440 : i32
        %parallel_loop3A_562 = arith.index_cast %parallel_loop3A_561 : i32 to index
        %parallel_loop3A_563 = arith.constant 32 : index
        %parallel_loop3A_564 = tpu.vector_load %arg11[%parallel_loop3A_562, %parallel_loop3A_563] {strides = array<i32>} : memref<400x64xf32, #tpu.memory_space<vmem>>, vector<1x16xf32>,
        %parallel_loop3A_565 = vector.shape_cast %parallel_loop3A_564 : vector<1x16xf32> to vector<16xf32>
        %parallel_loop3A_566 = vector.shape_cast %parallel_loop3A_559 : vector<16xf32> to vector<1x16xf32>
        tpu.vector_store %arg11[%parallel_loop3A_562, %parallel_loop3A_563], %parallel_loop3A_566 {strides = array<i32>} : memref<400x64xf32, #tpu.memory_space<vmem>>, vector<1x16xf32>,
        %parallel_loop3A_567 = arith.constant 200 : i32
        %parallel_loop3A_568 = arith.addi %parallel_loop3A_567, %parallel_loop3A_440 : i32
        %parallel_loop3A_569 = arith.index_cast %parallel_loop3A_568 : i32 to index
        %parallel_loop3A_570 = arith.constant 48 : index
        %parallel_loop3A_571 = tpu.vector_load %arg11[%parallel_loop3A_569, %parallel_loop3A_570] {strides = array<i32>} : memref<400x64xf32, #tpu.memory_space<vmem>>, vector<1x16xf32>,
        %parallel_loop3A_572 = vector.shape_cast %parallel_loop3A_571 : vector<1x16xf32> to vector<16xf32>
        %parallel_loop3A_573 = arith.index_cast %parallel_loop3A_440 : i32 to index
        %parallel_loop3A_574 = arith.constant 48 : index
        %parallel_loop3A_575 = tpu.vector_load %arg7[%parallel_loop3A_573, %parallel_loop3A_574] {strides = array<i32>} : memref<200x64xf32, #tpu.memory_space<vmem>>, vector<1x16xf32>,
        %parallel_loop3A_576 = vector.shape_cast %parallel_loop3A_575 : vector<1x16xf32> to vector<16xf32>
        %parallel_loop3A_577 = arith.addf %parallel_loop3A_572, %parallel_loop3A_576 : vector<16xf32>
        %parallel_loop3A_578 = arith.constant 200 : i32
        %parallel_loop3A_579 = arith.addi %parallel_loop3A_578, %parallel_loop3A_440 : i32
        %parallel_loop3A_580 = arith.index_cast %parallel_loop3A_579 : i32 to index
        %parallel_loop3A_581 = arith.constant 48 : index
        %parallel_loop3A_582 = tpu.vector_load %arg11[%parallel_loop3A_580, %parallel_loop3A_581] {strides = array<i32>} : memref<400x64xf32, #tpu.memory_space<vmem>>, vector<1x16xf32>,
        %parallel_loop3A_583 = vector.shape_cast %parallel_loop3A_582 : vector<1x16xf32> to vector<16xf32>
        %parallel_loop3A_584 = vector.shape_cast %parallel_loop3A_577 : vector<16xf32> to vector<1x16xf32>
        tpu.vector_store %arg11[%parallel_loop3A_580, %parallel_loop3A_581], %parallel_loop3A_584 {strides = array<i32>} : memref<400x64xf32, #tpu.memory_space<vmem>>, vector<1x16xf32>,
      } {sc.loop_unroll_factor = 4 : i64, sc.parallel_access}
      %add3A_359 = arith.constant 2 : i32
      %add3A_360 = arith.addi %mul3A_10, %add3A_359 : i32
      %mul3A_361 = arith.constant 400 : i32
      %mul3A_362 = arith.muli %add3A_360, %mul3A_361 : i32
      %add3A_363 = arith.addi %mul3A_2, %mul3A_362 : i32
      %dma_start3A_364 = arith.constant 0 : i32
      %dma_start3A_365 = tpu.memref_slice %arg5[%add3A_363, %dma_start3A_364] : memref<819200x64xf32, #tpu.memory_space<hbm>> -> memref<400x64xf32, #tpu.memory_space<hbm>>
      %dma_start3A_366 = arith.constant 0 : i32
      %dma_start3A_367 = tpu.memref_slice %arg5[%add3A_363, %dma_start3A_366] : memref<819200x64xf32, #tpu.memory_space<hbm>> -> memref<400x64xf32, #tpu.memory_space<hbm>>
      tpu.enqueue_dma source(%arg11 : memref<400x64xf32, #tpu.memory_space<vmem>>) target(%dma_start3A_367 : memref<400x64xf32, #tpu.memory_space<hbm>>) target_semaphore(%arg19 : memref<!tpu.dma_semaphore, #tpu.memory_space<semaphore_mem>>)
      %dma_wait3A_368 = arith.constant 3 : i32
      %dma_wait3A_369 = arith.constant 0 : i32
      %dma_wait3A_370 = arith.constant 0 : i32
      %dma_wait3A_371 = arith.constant 0 : i32
      %dma_wait3A_372 = tpu.memref_slice %arg12[%dma_wait3A_370, %dma_wait3A_371] : memref<400x64xf32, #tpu.memory_space<vmem>> -> memref<100x64xf32, #tpu.memory_space<vmem>>
      %dma_wait3A_373 = arith.constant 0 : i32
      %dma_wait3A_374 = tpu.memref_slice %arg6[%dma_wait3A_368, %dma_wait3A_369, %dma_wait3A_373] : memref<4x4x100xi32, #tpu.memory_space<vmem>> -> memref<1x1x100xi32, #tpu.memory_space<vmem>>
      %dma_wait3A_375 = tpu.memref_squeeze %dma_wait3A_374 : memref<1x1x100xi32, #tpu.memory_space<vmem>> -> memref<100xi32, #tpu.memory_space<vmem>>
      %dma_wait3A_376 = arith.constant 0 : i32
      %dma_wait3A_377 = arith.constant 0 : i32
      %dma_wait3A_378 = tpu.memref_slice %arg3[%dma_wait3A_376, %dma_wait3A_377] : memref<1000000x64xf32, #tpu.memory_space<hbm>> -> memref<1000000x64xf32, #tpu.memory_space<hbm>>
      tpu.wait_indirect_dma semaphore(%arg16 : memref<!tpu.dma_semaphore, #tpu.memory_space<semaphore_mem>>) src(%dma_wait3A_378 : memref<1000000x64xf32, #tpu.memory_space<hbm>>) dst(%dma_wait3A_372 : memref<100x64xf32, #tpu.memory_space<vmem>>)
      %dma_wait3A_379 = arith.constant 3 : i32
      %dma_wait3A_380 = arith.constant 1 : i32
      %dma_wait3A_381 = arith.constant 100 : i32
      %dma_wait3A_382 = arith.constant 0 : i32
      %dma_wait3A_383 = tpu.memref_slice %arg12[%dma_wait3A_381, %dma_wait3A_382] : memref<400x64xf32, #tpu.memory_space<vmem>> -> memref<100x64xf32, #tpu.memory_space<vmem>>
      %dma_wait3A_384 = arith.constant 0 : i32
      %dma_wait3A_385 = tpu.memref_slice %arg6[%dma_wait3A_379, %dma_wait3A_380, %dma_wait3A_384] : memref<4x4x100xi32, #tpu.memory_space<vmem>> -> memref<1x1x100xi32, #tpu.memory_space<vmem>>
      %dma_wait3A_386 = tpu.memref_squeeze %dma_wait3A_385 : memref<1x1x100xi32, #tpu.memory_space<vmem>> -> memref<100xi32, #tpu.memory_space<vmem>>
      %dma_wait3A_387 = arith.constant 0 : i32
      %dma_wait3A_388 = arith.constant 0 : i32
      %dma_wait3A_389 = tpu.memref_slice %arg3[%dma_wait3A_387, %dma_wait3A_388] : memref<1000000x64xf32, #tpu.memory_space<hbm>> -> memref<1000000x64xf32, #tpu.memory_space<hbm>>
      tpu.wait_indirect_dma semaphore(%arg16 : memref<!tpu.dma_semaphore, #tpu.memory_space<semaphore_mem>>) src(%dma_wait3A_389 : memref<1000000x64xf32, #tpu.memory_space<hbm>>) dst(%dma_wait3A_383 : memref<100x64xf32, #tpu.memory_space<vmem>>)
      %dma_wait3A_390 = arith.constant 3 : i32
      %dma_wait3A_391 = arith.constant 2 : i32
      %dma_wait3A_392 = arith.constant 200 : i32
      %dma_wait3A_393 = arith.constant 0 : i32
      %dma_wait3A_394 = tpu.memref_slice %arg12[%dma_wait3A_392, %dma_wait3A_393] : memref<400x64xf32, #tpu.memory_space<vmem>> -> memref<100x64xf32, #tpu.memory_space<vmem>>
      %dma_wait3A_395 = arith.constant 0 : i32
      %dma_wait3A_396 = tpu.memref_slice %arg6[%dma_wait3A_390, %dma_wait3A_391, %dma_wait3A_395] : memref<4x4x100xi32, #tpu.memory_space<vmem>> -> memref<1x1x100xi32, #tpu.memory_space<vmem>>
      %dma_wait3A_397 = tpu.memref_squeeze %dma_wait3A_396 : memref<1x1x100xi32, #tpu.memory_space<vmem>> -> memref<100xi32, #tpu.memory_space<vmem>>
      %dma_wait3A_398 = arith.constant 0 : i32
      %dma_wait3A_399 = arith.constant 0 : i32
      %dma_wait3A_400 = tpu.memref_slice %arg3[%dma_wait3A_398, %dma_wait3A_399] : memref<1000000x64xf32, #tpu.memory_space<hbm>> -> memref<1000000x64xf32, #tpu.memory_space<hbm>>
      tpu.wait_indirect_dma semaphore(%arg16 : memref<!tpu.dma_semaphore, #tpu.memory_space<semaphore_mem>>) src(%dma_wait3A_400 : memref<1000000x64xf32, #tpu.memory_space<hbm>>) dst(%dma_wait3A_394 : memref<100x64xf32, #tpu.memory_space<vmem>>)
      %dma_wait3A_401 = arith.constant 3 : i32
      %dma_wait3A_402 = arith.constant 3 : i32
      %dma_wait3A_403 = arith.constant 300 : i32
      %dma_wait3A_404 = arith.constant 0 : i32
      %dma_wait3A_405 = tpu.memref_slice %arg12[%dma_wait3A_403, %dma_wait3A_404] : memref<400x64xf32, #tpu.memory_space<vmem>> -> memref<100x64xf32, #tpu.memory_space<vmem>>
      %dma_wait3A_406 = arith.constant 0 : i32
      %dma_wait3A_407 = tpu.memref_slice %arg6[%dma_wait3A_401, %dma_wait3A_402, %dma_wait3A_406] : memref<4x4x100xi32, #tpu.memory_space<vmem>> -> memref<1x1x100xi32, #tpu.memory_space<vmem>>
      %dma_wait3A_408 = tpu.memref_squeeze %dma_wait3A_407 : memref<1x1x100xi32, #tpu.memory_space<vmem>> -> memref<100xi32, #tpu.memory_space<vmem>>
      %dma_wait3A_409 = arith.constant 0 : i32
      %dma_wait3A_410 = arith.constant 0 : i32
      %dma_wait3A_411 = tpu.memref_slice %arg3[%dma_wait3A_409, %dma_wait3A_410] : memref<1000000x64xf32, #tpu.memory_space<hbm>> -> memref<1000000x64xf32, #tpu.memory_space<hbm>>
      tpu.wait_indirect_dma semaphore(%arg16 : memref<!tpu.dma_semaphore, #tpu.memory_space<semaphore_mem>>) src(%dma_wait3A_411 : memref<1000000x64xf32, #tpu.memory_space<hbm>>) dst(%dma_wait3A_405 : memref<100x64xf32, #tpu.memory_space<vmem>>)
      %parallel_loop3A_412 = arith.constant 0 : i32
      %parallel_loop3A_413 = arith.constant 200 : i32
      %parallel_loop3A_414 = arith.constant 1 : i32
      scf.for %parallel_loop3A_440 = %parallel_loop3A_412 to %parallel_loop3A_413 step %parallel_loop3A_414  : i32 {
        %parallel_loop3A_441 = arith.constant 0 : i32
        %parallel_loop3A_442 = arith.addi %parallel_loop3A_441, %parallel_loop3A_440 : i32
        %parallel_loop3A_443 = arith.index_cast %parallel_loop3A_442 : i32 to index
        %parallel_loop3A_444 = arith.constant 0 : index
        %parallel_loop3A_445 = tpu.vector_load %arg12[%parallel_loop3A_443, %parallel_loop3A_444] {strides = array<i32>} : memref<400x64xf32, #tpu.memory_space<vmem>>, vector<1x16xf32>,
        %parallel_loop3A_446 = vector.shape_cast %parallel_loop3A_445 : vector<1x16xf32> to vector<16xf32>
        %parallel_loop3A_447 = arith.index_cast %parallel_loop3A_440 : i32 to index
        %parallel_loop3A_448 = arith.constant 0 : index
        %parallel_loop3A_449 = tpu.vector_load %arg7[%parallel_loop3A_447, %parallel_loop3A_448] {strides = array<i32>} : memref<200x64xf32, #tpu.memory_space<vmem>>, vector<1x16xf32>,
        %parallel_loop3A_450 = vector.shape_cast %parallel_loop3A_449 : vector<1x16xf32> to vector<16xf32>
        %parallel_loop3A_451 = arith.addf %parallel_loop3A_446, %parallel_loop3A_450 : vector<16xf32>
        %parallel_loop3A_452 = arith.constant 0 : i32
        %parallel_loop3A_453 = arith.addi %parallel_loop3A_452, %parallel_loop3A_440 : i32
        %parallel_loop3A_454 = arith.index_cast %parallel_loop3A_453 : i32 to index
        %parallel_loop3A_455 = arith.constant 0 : index
        %parallel_loop3A_456 = tpu.vector_load %arg12[%parallel_loop3A_454, %parallel_loop3A_455] {strides = array<i32>} : memref<400x64xf32, #tpu.memory_space<vmem>>, vector<1x16xf32>,
        %parallel_loop3A_457 = vector.shape_cast %parallel_loop3A_456 : vector<1x16xf32> to vector<16xf32>
        %parallel_loop3A_458 = vector.shape_cast %parallel_loop3A_451 : vector<16xf32> to vector<1x16xf32>
        tpu.vector_store %arg12[%parallel_loop3A_454, %parallel_loop3A_455], %parallel_loop3A_458 {strides = array<i32>} : memref<400x64xf32, #tpu.memory_space<vmem>>, vector<1x16xf32>,
        %parallel_loop3A_459 = arith.constant 0 : i32
        %parallel_loop3A_460 = arith.addi %parallel_loop3A_459, %parallel_loop3A_440 : i32
        %parallel_loop3A_461 = arith.index_cast %parallel_loop3A_460 : i32 to index
        %parallel_loop3A_462 = arith.constant 16 : index
        %parallel_loop3A_463 = tpu.vector_load %arg12[%parallel_loop3A_461, %parallel_loop3A_462] {strides = array<i32>} : memref<400x64xf32, #tpu.memory_space<vmem>>, vector<1x16xf32>,
        %parallel_loop3A_464 = vector.shape_cast %parallel_loop3A_463 : vector<1x16xf32> to vector<16xf32>
        %parallel_loop3A_465 = arith.index_cast %parallel_loop3A_440 : i32 to index
        %parallel_loop3A_466 = arith.constant 16 : index
        %parallel_loop3A_467 = tpu.vector_load %arg7[%parallel_loop3A_465, %parallel_loop3A_466] {strides = array<i32>} : memref<200x64xf32, #tpu.memory_space<vmem>>, vector<1x16xf32>,
        %parallel_loop3A_468 = vector.shape_cast %parallel_loop3A_467 : vector<1x16xf32> to vector<16xf32>
        %parallel_loop3A_469 = arith.addf %parallel_loop3A_464, %parallel_loop3A_468 : vector<16xf32>
        %parallel_loop3A_470 = arith.constant 0 : i32
        %parallel_loop3A_471 = arith.addi %parallel_loop3A_470, %parallel_loop3A_440 : i32
        %parallel_loop3A_472 = arith.index_cast %parallel_loop3A_471 : i32 to index
        %parallel_loop3A_473 = arith.constant 16 : index
        %parallel_loop3A_474 = tpu.vector_load %arg12[%parallel_loop3A_472, %parallel_loop3A_473] {strides = array<i32>} : memref<400x64xf32, #tpu.memory_space<vmem>>, vector<1x16xf32>,
        %parallel_loop3A_475 = vector.shape_cast %parallel_loop3A_474 : vector<1x16xf32> to vector<16xf32>
        %parallel_loop3A_476 = vector.shape_cast %parallel_loop3A_469 : vector<16xf32> to vector<1x16xf32>
        tpu.vector_store %arg12[%parallel_loop3A_472, %parallel_loop3A_473], %parallel_loop3A_476 {strides = array<i32>} : memref<400x64xf32, #tpu.memory_space<vmem>>, vector<1x16xf32>,
        %parallel_loop3A_477 = arith.constant 0 : i32
        %parallel_loop3A_478 = arith.addi %parallel_loop3A_477, %parallel_loop3A_440 : i32
        %parallel_loop3A_479 = arith.index_cast %parallel_loop3A_478 : i32 to index
        %parallel_loop3A_480 = arith.constant 32 : index
        %parallel_loop3A_481 = tpu.vector_load %arg12[%parallel_loop3A_479, %parallel_loop3A_480] {strides = array<i32>} : memref<400x64xf32, #tpu.memory_space<vmem>>, vector<1x16xf32>,
        %parallel_loop3A_482 = vector.shape_cast %parallel_loop3A_481 : vector<1x16xf32> to vector<16xf32>
        %parallel_loop3A_483 = arith.index_cast %parallel_loop3A_440 : i32 to index
        %parallel_loop3A_484 = arith.constant 32 : index
        %parallel_loop3A_485 = tpu.vector_load %arg7[%parallel_loop3A_483, %parallel_loop3A_484] {strides = array<i32>} : memref<200x64xf32, #tpu.memory_space<vmem>>, vector<1x16xf32>,
        %parallel_loop3A_486 = vector.shape_cast %parallel_loop3A_485 : vector<1x16xf32> to vector<16xf32>
        %parallel_loop3A_487 = arith.addf %parallel_loop3A_482, %parallel_loop3A_486 : vector<16xf32>
        %parallel_loop3A_488 = arith.constant 0 : i32
        %parallel_loop3A_489 = arith.addi %parallel_loop3A_488, %parallel_loop3A_440 : i32
        %parallel_loop3A_490 = arith.index_cast %parallel_loop3A_489 : i32 to index
        %parallel_loop3A_491 = arith.constant 32 : index
        %parallel_loop3A_492 = tpu.vector_load %arg12[%parallel_loop3A_490, %parallel_loop3A_491] {strides = array<i32>} : memref<400x64xf32, #tpu.memory_space<vmem>>, vector<1x16xf32>,
        %parallel_loop3A_493 = vector.shape_cast %parallel_loop3A_492 : vector<1x16xf32> to vector<16xf32>
        %parallel_loop3A_494 = vector.shape_cast %parallel_loop3A_487 : vector<16xf32> to vector<1x16xf32>
        tpu.vector_store %arg12[%parallel_loop3A_490, %parallel_loop3A_491], %parallel_loop3A_494 {strides = array<i32>} : memref<400x64xf32, #tpu.memory_space<vmem>>, vector<1x16xf32>,
        %parallel_loop3A_495 = arith.constant 0 : i32
        %parallel_loop3A_496 = arith.addi %parallel_loop3A_495, %parallel_loop3A_440 : i32
        %parallel_loop3A_497 = arith.index_cast %parallel_loop3A_496 : i32 to index
        %parallel_loop3A_498 = arith.constant 48 : index
        %parallel_loop3A_499 = tpu.vector_load %arg12[%parallel_loop3A_497, %parallel_loop3A_498] {strides = array<i32>} : memref<400x64xf32, #tpu.memory_space<vmem>>, vector<1x16xf32>,
        %parallel_loop3A_500 = vector.shape_cast %parallel_loop3A_499 : vector<1x16xf32> to vector<16xf32>
        %parallel_loop3A_501 = arith.index_cast %parallel_loop3A_440 : i32 to index
        %parallel_loop3A_502 = arith.constant 48 : index
        %parallel_loop3A_503 = tpu.vector_load %arg7[%parallel_loop3A_501, %parallel_loop3A_502] {strides = array<i32>} : memref<200x64xf32, #tpu.memory_space<vmem>>, vector<1x16xf32>,
        %parallel_loop3A_504 = vector.shape_cast %parallel_loop3A_503 : vector<1x16xf32> to vector<16xf32>
        %parallel_loop3A_505 = arith.addf %parallel_loop3A_500, %parallel_loop3A_504 : vector<16xf32>
        %parallel_loop3A_506 = arith.constant 0 : i32
        %parallel_loop3A_507 = arith.addi %parallel_loop3A_506, %parallel_loop3A_440 : i32
        %parallel_loop3A_508 = arith.index_cast %parallel_loop3A_507 : i32 to index
        %parallel_loop3A_509 = arith.constant 48 : index
        %parallel_loop3A_510 = tpu.vector_load %arg12[%parallel_loop3A_508, %parallel_loop3A_509] {strides = array<i32>} : memref<400x64xf32, #tpu.memory_space<vmem>>, vector<1x16xf32>,
        %parallel_loop3A_511 = vector.shape_cast %parallel_loop3A_510 : vector<1x16xf32> to vector<16xf32>
        %parallel_loop3A_512 = vector.shape_cast %parallel_loop3A_505 : vector<16xf32> to vector<1x16xf32>
        tpu.vector_store %arg12[%parallel_loop3A_508, %parallel_loop3A_509], %parallel_loop3A_512 {strides = array<i32>} : memref<400x64xf32, #tpu.memory_space<vmem>>, vector<1x16xf32>,
        %parallel_loop3A_513 = arith.constant 200 : i32
        %parallel_loop3A_514 = arith.addi %parallel_loop3A_513, %parallel_loop3A_440 : i32
        %parallel_loop3A_515 = arith.index_cast %parallel_loop3A_514 : i32 to index
        %parallel_loop3A_516 = arith.constant 0 : index
        %parallel_loop3A_517 = tpu.vector_load %arg12[%parallel_loop3A_515, %parallel_loop3A_516] {strides = array<i32>} : memref<400x64xf32, #tpu.memory_space<vmem>>, vector<1x16xf32>,
        %parallel_loop3A_518 = vector.shape_cast %parallel_loop3A_517 : vector<1x16xf32> to vector<16xf32>
        %parallel_loop3A_519 = arith.index_cast %parallel_loop3A_440 : i32 to index
        %parallel_loop3A_520 = arith.constant 0 : index
        %parallel_loop3A_521 = tpu.vector_load %arg7[%parallel_loop3A_519, %parallel_loop3A_520] {strides = array<i32>} : memref<200x64xf32, #tpu.memory_space<vmem>>, vector<1x16xf32>,
        %parallel_loop3A_522 = vector.shape_cast %parallel_loop3A_521 : vector<1x16xf32> to vector<16xf32>
        %parallel_loop3A_523 = arith.addf %parallel_loop3A_518, %parallel_loop3A_522 : vector<16xf32>
        %parallel_loop3A_524 = arith.constant 200 : i32
        %parallel_loop3A_525 = arith.addi %parallel_loop3A_524, %parallel_loop3A_440 : i32
        %parallel_loop3A_526 = arith.index_cast %parallel_loop3A_525 : i32 to index
        %parallel_loop3A_527 = arith.constant 0 : index
        %parallel_loop3A_528 = tpu.vector_load %arg12[%parallel_loop3A_526, %parallel_loop3A_527] {strides = array<i32>} : memref<400x64xf32, #tpu.memory_space<vmem>>, vector<1x16xf32>,
        %parallel_loop3A_529 = vector.shape_cast %parallel_loop3A_528 : vector<1x16xf32> to vector<16xf32>
        %parallel_loop3A_530 = vector.shape_cast %parallel_loop3A_523 : vector<16xf32> to vector<1x16xf32>
        tpu.vector_store %arg12[%parallel_loop3A_526, %parallel_loop3A_527], %parallel_loop3A_530 {strides = array<i32>} : memref<400x64xf32, #tpu.memory_space<vmem>>, vector<1x16xf32>,
        %parallel_loop3A_531 = arith.constant 200 : i32
        %parallel_loop3A_532 = arith.addi %parallel_loop3A_531, %parallel_loop3A_440 : i32
        %parallel_loop3A_533 = arith.index_cast %parallel_loop3A_532 : i32 to index
        %parallel_loop3A_534 = arith.constant 16 : index
        %parallel_loop3A_535 = tpu.vector_load %arg12[%parallel_loop3A_533, %parallel_loop3A_534] {strides = array<i32>} : memref<400x64xf32, #tpu.memory_space<vmem>>, vector<1x16xf32>,
        %parallel_loop3A_536 = vector.shape_cast %parallel_loop3A_535 : vector<1x16xf32> to vector<16xf32>
        %parallel_loop3A_537 = arith.index_cast %parallel_loop3A_440 : i32 to index
        %parallel_loop3A_538 = arith.constant 16 : index
        %parallel_loop3A_539 = tpu.vector_load %arg7[%parallel_loop3A_537, %parallel_loop3A_538] {strides = array<i32>} : memref<200x64xf32, #tpu.memory_space<vmem>>, vector<1x16xf32>,
        %parallel_loop3A_540 = vector.shape_cast %parallel_loop3A_539 : vector<1x16xf32> to vector<16xf32>
        %parallel_loop3A_541 = arith.addf %parallel_loop3A_536, %parallel_loop3A_540 : vector<16xf32>
        %parallel_loop3A_542 = arith.constant 200 : i32
        %parallel_loop3A_543 = arith.addi %parallel_loop3A_542, %parallel_loop3A_440 : i32
        %parallel_loop3A_544 = arith.index_cast %parallel_loop3A_543 : i32 to index
        %parallel_loop3A_545 = arith.constant 16 : index
        %parallel_loop3A_546 = tpu.vector_load %arg12[%parallel_loop3A_544, %parallel_loop3A_545] {strides = array<i32>} : memref<400x64xf32, #tpu.memory_space<vmem>>, vector<1x16xf32>,
        %parallel_loop3A_547 = vector.shape_cast %parallel_loop3A_546 : vector<1x16xf32> to vector<16xf32>
        %parallel_loop3A_548 = vector.shape_cast %parallel_loop3A_541 : vector<16xf32> to vector<1x16xf32>
        tpu.vector_store %arg12[%parallel_loop3A_544, %parallel_loop3A_545], %parallel_loop3A_548 {strides = array<i32>} : memref<400x64xf32, #tpu.memory_space<vmem>>, vector<1x16xf32>,
        %parallel_loop3A_549 = arith.constant 200 : i32
        %parallel_loop3A_550 = arith.addi %parallel_loop3A_549, %parallel_loop3A_440 : i32
        %parallel_loop3A_551 = arith.index_cast %parallel_loop3A_550 : i32 to index
        %parallel_loop3A_552 = arith.constant 32 : index
        %parallel_loop3A_553 = tpu.vector_load %arg12[%parallel_loop3A_551, %parallel_loop3A_552] {strides = array<i32>} : memref<400x64xf32, #tpu.memory_space<vmem>>, vector<1x16xf32>,
        %parallel_loop3A_554 = vector.shape_cast %parallel_loop3A_553 : vector<1x16xf32> to vector<16xf32>
        %parallel_loop3A_555 = arith.index_cast %parallel_loop3A_440 : i32 to index
        %parallel_loop3A_556 = arith.constant 32 : index
        %parallel_loop3A_557 = tpu.vector_load %arg7[%parallel_loop3A_555, %parallel_loop3A_556] {strides = array<i32>} : memref<200x64xf32, #tpu.memory_space<vmem>>, vector<1x16xf32>,
        %parallel_loop3A_558 = vector.shape_cast %parallel_loop3A_557 : vector<1x16xf32> to vector<16xf32>
        %parallel_loop3A_559 = arith.addf %parallel_loop3A_554, %parallel_loop3A_558 : vector<16xf32>
        %parallel_loop3A_560 = arith.constant 200 : i32
        %parallel_loop3A_561 = arith.addi %parallel_loop3A_560, %parallel_loop3A_440 : i32
        %parallel_loop3A_562 = arith.index_cast %parallel_loop3A_561 : i32 to index
        %parallel_loop3A_563 = arith.constant 32 : index
        %parallel_loop3A_564 = tpu.vector_load %arg12[%parallel_loop3A_562, %parallel_loop3A_563] {strides = array<i32>} : memref<400x64xf32, #tpu.memory_space<vmem>>, vector<1x16xf32>,
        %parallel_loop3A_565 = vector.shape_cast %parallel_loop3A_564 : vector<1x16xf32> to vector<16xf32>
        %parallel_loop3A_566 = vector.shape_cast %parallel_loop3A_559 : vector<16xf32> to vector<1x16xf32>
        tpu.vector_store %arg12[%parallel_loop3A_562, %parallel_loop3A_563], %parallel_loop3A_566 {strides = array<i32>} : memref<400x64xf32, #tpu.memory_space<vmem>>, vector<1x16xf32>,
        %parallel_loop3A_567 = arith.constant 200 : i32
        %parallel_loop3A_568 = arith.addi %parallel_loop3A_567, %parallel_loop3A_440 : i32
        %parallel_loop3A_569 = arith.index_cast %parallel_loop3A_568 : i32 to index
        %parallel_loop3A_570 = arith.constant 48 : index
        %parallel_loop3A_571 = tpu.vector_load %arg12[%parallel_loop3A_569, %parallel_loop3A_570] {strides = array<i32>} : memref<400x64xf32, #tpu.memory_space<vmem>>, vector<1x16xf32>,
        %parallel_loop3A_572 = vector.shape_cast %parallel_loop3A_571 : vector<1x16xf32> to vector<16xf32>
        %parallel_loop3A_573 = arith.index_cast %parallel_loop3A_440 : i32 to index
        %parallel_loop3A_574 = arith.constant 48 : index
        %parallel_loop3A_575 = tpu.vector_load %arg7[%parallel_loop3A_573, %parallel_loop3A_574] {strides = array<i32>} : memref<200x64xf32, #tpu.memory_space<vmem>>, vector<1x16xf32>,
        %parallel_loop3A_576 = vector.shape_cast %parallel_loop3A_575 : vector<1x16xf32> to vector<16xf32>
        %parallel_loop3A_577 = arith.addf %parallel_loop3A_572, %parallel_loop3A_576 : vector<16xf32>
        %parallel_loop3A_578 = arith.constant 200 : i32
        %parallel_loop3A_579 = arith.addi %parallel_loop3A_578, %parallel_loop3A_440 : i32
        %parallel_loop3A_580 = arith.index_cast %parallel_loop3A_579 : i32 to index
        %parallel_loop3A_581 = arith.constant 48 : index
        %parallel_loop3A_582 = tpu.vector_load %arg12[%parallel_loop3A_580, %parallel_loop3A_581] {strides = array<i32>} : memref<400x64xf32, #tpu.memory_space<vmem>>, vector<1x16xf32>,
        %parallel_loop3A_583 = vector.shape_cast %parallel_loop3A_582 : vector<1x16xf32> to vector<16xf32>
        %parallel_loop3A_584 = vector.shape_cast %parallel_loop3A_577 : vector<16xf32> to vector<1x16xf32>
        tpu.vector_store %arg12[%parallel_loop3A_580, %parallel_loop3A_581], %parallel_loop3A_584 {strides = array<i32>} : memref<400x64xf32, #tpu.memory_space<vmem>>, vector<1x16xf32>,
      } {sc.loop_unroll_factor = 4 : i64, sc.parallel_access}
      %add3A_415 = arith.constant 3 : i32
      %add3A_416 = arith.addi %mul3A_10, %add3A_415 : i32
      %mul3A_417 = arith.constant 400 : i32
      %mul3A_418 = arith.muli %add3A_416, %mul3A_417 : i32
      %add3A_419 = arith.addi %mul3A_2, %mul3A_418 : i32
      %dma_start3A_420 = arith.constant 0 : i32
      %dma_start3A_421 = tpu.memref_slice %arg5[%add3A_419, %dma_start3A_420] : memref<819200x64xf32, #tpu.memory_space<hbm>> -> memref<400x64xf32, #tpu.memory_space<hbm>>
      %dma_start3A_422 = arith.constant 0 : i32
      %dma_start3A_423 = tpu.memref_slice %arg5[%add3A_419, %dma_start3A_422] : memref<819200x64xf32, #tpu.memory_space<hbm>> -> memref<400x64xf32, #tpu.memory_space<hbm>>
      tpu.enqueue_dma source(%arg12 : memref<400x64xf32, #tpu.memory_space<vmem>>) target(%dma_start3A_423 : memref<400x64xf32, #tpu.memory_space<hbm>>) target_semaphore(%arg20 : memref<!tpu.dma_semaphore, #tpu.memory_space<semaphore_mem>>)
      %dma_wait3A_424 = arith.constant 0 : i32
      %dma_wait3A_425 = tpu.memref_slice %arg5[%add3A_251, %dma_wait3A_424] : memref<819200x64xf32, #tpu.memory_space<hbm>> -> memref<400x64xf32, #tpu.memory_space<hbm>>
      %dma_wait3A_426 = arith.constant 0 : i32
      %dma_wait3A_427 = tpu.memref_slice %arg5[%add3A_251, %dma_wait3A_426] : memref<819200x64xf32, #tpu.memory_space<hbm>> -> memref<400x64xf32, #tpu.memory_space<hbm>>
      tpu.wait_dma2 semaphore(%arg17 : memref<!tpu.dma_semaphore, #tpu.memory_space<semaphore_mem>>) src(%arg9 : memref<400x64xf32, #tpu.memory_space<vmem>>) dst(%dma_wait3A_427 : memref<400x64xf32, #tpu.memory_space<hbm>>)
      %dma_wait3A_428 = arith.constant 0 : i32
      %dma_wait3A_429 = tpu.memref_slice %arg5[%add3A_307, %dma_wait3A_428] : memref<819200x64xf32, #tpu.memory_space<hbm>> -> memref<400x64xf32, #tpu.memory_space<hbm>>
      %dma_wait3A_430 = arith.constant 0 : i32
      %dma_wait3A_431 = tpu.memref_slice %arg5[%add3A_307, %dma_wait3A_430] : memref<819200x64xf32, #tpu.memory_space<hbm>> -> memref<400x64xf32, #tpu.memory_space<hbm>>
      tpu.wait_dma2 semaphore(%arg18 : memref<!tpu.dma_semaphore, #tpu.memory_space<semaphore_mem>>) src(%arg10 : memref<400x64xf32, #tpu.memory_space<vmem>>) dst(%dma_wait3A_431 : memref<400x64xf32, #tpu.memory_space<hbm>>)
      %dma_wait3A_432 = arith.constant 0 : i32
      %dma_wait3A_433 = tpu.memref_slice %arg5[%add3A_363, %dma_wait3A_432] : memref<819200x64xf32, #tpu.memory_space<hbm>> -> memref<400x64xf32, #tpu.memory_space<hbm>>
      %dma_wait3A_434 = arith.constant 0 : i32
      %dma_wait3A_435 = tpu.memref_slice %arg5[%add3A_363, %dma_wait3A_434] : memref<819200x64xf32, #tpu.memory_space<hbm>> -> memref<400x64xf32, #tpu.memory_space<hbm>>
      tpu.wait_dma2 semaphore(%arg19 : memref<!tpu.dma_semaphore, #tpu.memory_space<semaphore_mem>>) src(%arg11 : memref<400x64xf32, #tpu.memory_space<vmem>>) dst(%dma_wait3A_435 : memref<400x64xf32, #tpu.memory_space<hbm>>)
      %dma_wait3A_436 = arith.constant 0 : i32
      %dma_wait3A_437 = tpu.memref_slice %arg5[%add3A_419, %dma_wait3A_436] : memref<819200x64xf32, #tpu.memory_space<hbm>> -> memref<400x64xf32, #tpu.memory_space<hbm>>
      %dma_wait3A_438 = arith.constant 0 : i32
      %dma_wait3A_439 = tpu.memref_slice %arg5[%add3A_419, %dma_wait3A_438] : memref<819200x64xf32, #tpu.memory_space<hbm>> -> memref<400x64xf32, #tpu.memory_space<hbm>>
      tpu.wait_dma2 semaphore(%arg20 : memref<!tpu.dma_semaphore, #tpu.memory_space<semaphore_mem>>) src(%arg12 : memref<400x64xf32, #tpu.memory_space<vmem>>) dst(%dma_wait3A_439 : memref<400x64xf32, #tpu.memory_space<hbm>>)
    }
    %scan3A_7 = arith.constant 16 : i32
    return
  }
}

</mosaic_0001>

<sc_bundles>
// kernel: _run.3.cloned.1.call-start
scs
__scs_entry_jumppad:
0x0: {  	(pc) =	sbr.rel $0x88, $3  }
0x1: {  	(tag) =	ssettag $0x0;
	lr =	simm.s32 $0x1  }
0x2: {  	[smem:$0x3F9E] =	sst lr;
	_ =	strace $0xD0000000  }
0x3: {  	_ = 	snop  }
0x4: {  	_ = 	snop  }
0x5: {  	_ = 	snop  }
0x6: {  	_ = 	snop  }
0x7: {  	_ = 	snop  }
__scs_overlays_trampoline_lowered:
0x8: {  	[smem:$0x3FAD] =	sst s0  }
0x9: {  	[smem:$0x3FAE] =	sst s1  }
0xa: {  	[smem:$0x3FAF] =	sst s2  }
0xb: {  	[smem:$0x3FB0] =	sst s3  }
0xc: {  	[smem:$0x3FB1] =	sst s4  }
0xd: {  	[smem:$0x3FB2] =	sst s5  }
0xe: {  	[smem:$0x3FB3] =	sst s6  }
0xf: {  	[smem:$0x3FB4] =	sst s7  }
0x10: {  	[smem:$0x3FB5] =	sst s8  }
0x11: {  	[smem:$0x3FB6] =	sst s9;
	s0 =	simm.s32 @!p0 $0x0  }
0x12: {  	s1 =	sld [smem:$0x3F9C];
	s0 =	simm.s32 @p0 $0x1  }
0x13: {  	[smem:$0x3FB7] =	sst s0;
	s0 =	simm.s32 @!p1 $0x0  }
0x14: {  	s2 =	sld [smem:$0x3F9B];
	s0 =	simm.s32 @p1 $0x1  }
0x15: {  	[smem:$0x3FB8] =	sst s0;
	s0 =	simm.s32 @!p2 $0x0  }
0x16: {  	s3 =	sld [smem:$0x3FDB];
	s0 =	simm.s32 @p2 $0x1  }
0x17: {  	s4 =	simm.s32 $0x1BF5;
	[smem:$0x3FBA] =	sst s0  }
0x18: {  	s0 =	sld [smem:$0x3F9D];
	_ =	swait.ge [sflag:s4], $0x0  }
0x19: {  	s7 =	sld [smem:$0x3F9E]  }
0x1a: {  	s8 =	sadd.s32 $0xFFFFE003, lr  }
0x1b: {  	s9 =	sadd.s32 $0xFFFFFEF7, lr;
	s5 =	simm.s32 $0xFFFFFFFF;
	p2 =	slt.u32 s8, $0xFFFFF086  }
0x1c: {  	p1 =	slt.u32 s9, $0xF7A;
	s5 =	simm.s32 @!p2 $0x0  }
0x1d: {  	s5 =	simm.s32 @p1 $0x1;
	p0 =	seq.s32 s7, s2  }
0x1e: {  	s7 =	smul.u32 @!p0 $0xF7A, s2;
	p2 =	seq.s32 @!p0 s5, $0x0  }
0x1f: {  	s9 =	smul.u32 $0xF7A, s1;
	s8 =	simm.s32 @!p0 $0x1BF5;
	p2 =	por !p2, p0  }
0x20: {  	[sflag:s8] =	ssyncset.s32 @!p0 $0xFFFFF086;
	s6 =	sadd.s32 @!p0 s3, s7;
	s7 =	simm.s32 @!p0 $0x108  }
0x21: {  	s3 =	sadd.s32 s3, s9;
	s6 =	sadd.s32 @!p0 $0x88, s6;
	s7 =	simm.s32 @p2 $0x1082  }
0x22: {  	[simem:s7], [sflag:s8] =	dma.local @!p0 [hbm:s6], $0xF7A  }
0x23: {  	s9 =	sor.u32 $0xD0000000, s2;
	s6 =	simm.s32 $0x108;
	_ =	swait.ge @!p0 [sflag:s8], $0x0  }
0x24: {  	s3 =	sadd.s32 $0x88, s3;
	s6 =	simm.s32 @!p1 $0x1082;
	[sflag:s4] =	ssyncset.s32 $0xFFFFF086  }
0x25: {  	[simem:s6], [sflag:s4] =	dma.local [hbm:s3], $0xF7A  }
0x26: {  	[smem:$0x3F9E] =	sst s1;
	(tag) =	ssettag s2;
	_ =	strace s9  }
0x27: {  	s1 =	sld [smem:$0x3FAE]  }
0x28: {  	s2 =	sld [smem:$0x3FAF]  }
0x29: {  	s4 =	sld [smem:$0x3FB1]  }
0x2a: {  	p0 =	seq.s32 s5, $0x0;
	s5 =	sld [smem:$0x3FB2]  }
0x2b: {  	s6 =	sld [smem:$0x3FB3]  }
0x2c: {  	s7 =	sld [smem:$0x3FB4]  }
0x2d: {  	s3 =	simm.s32 $0x108;
	s8 =	sld [smem:$0x3FB5]  }
0x2e: {  	s3 =	simm.s32 @!p0 $0x1082;
	s9 =	sld [smem:$0x3FB6]  }
0x2f: {  	lr =	sadd.s32 s0, s3;
	s0 =	sld [smem:$0x3FAD]  }
0x30: {  	s3 =	sld [smem:$0x3FB0]  }
0x31: {  	[smem:$0x3FB9] =	sst s10  }
0x32: {  	s10 =	sld [smem:$0x3FB7];
	_ =	sdelay $0x3  }
0x33: {  	p0 =	seq.s32 s10, $0x1;
	s10 =	sld [smem:$0x3FB9];
	_ =	sdelay $0x3  }
0x34: {  	[smem:$0x3FB9] =	sst s10  }
0x35: {  	s10 =	sld [smem:$0x3FB8];
	_ =	sdelay $0x3  }
0x36: {  	p1 =	seq.s32 s10, $0x1;
	s10 =	sld [smem:$0x3FB9];
	_ =	sdelay $0x3  }
0x37: {  	[smem:$0x3FB9] =	sst s10  }
0x38: {  	s10 =	sld [smem:$0x3FBA]  }
0x39: {  	_ = 	snop;
	(pc) =	sbr.ind lr, $3  }
0x3a: {  	_ = 	snop  }
0x3b: {  	_ = 	snop  }
0x3c: {  	p2 =	seq.s32 s10, $0x1;
	s10 =	sld [smem:$0x3FB9]  }
0x3d: {  	_ =	shalt  }
0x3e: {  	_ =	shalt  }
0x3f: {  	_ =	shalt  }
0x40: {  	_ =	shalt  }
0x41: {  	_ =	shalt  }
0x42: {  	_ =	shalt  }
0x43: {  	_ =	shalt  }
0x44: {  	_ =	shalt  }
0x45: {  	_ =	shalt  }
0x46: {  	_ =	shalt  }
0x47: {  	_ =	shalt  }
0x48: {  	_ =	shalt  }
0x49: {  	_ =	shalt  }
0x4a: {  	_ =	shalt  }
0x4b: {  	_ =	shalt  }
0x4c: {  	_ =	shalt  }
0x4d: {  	_ =	shalt  }
0x4e: {  	_ =	shalt  }
0x4f: {  	_ =	shalt  }
0x50: {  	_ =	shalt  }
0x51: {  	_ =	shalt  }
0x52: {  	_ =	shalt  }
0x53: {  	_ =	shalt  }
0x54: {  	_ =	shalt  }
0x55: {  	_ =	shalt  }
0x56: {  	_ =	shalt  }
0x57: {  	_ =	shalt  }
0x58: {  	_ =	shalt  }
0x59: {  	_ =	shalt  }
0x5a: {  	_ =	shalt  }
0x5b: {  	_ =	shalt  }
0x5c: {  	_ =	shalt  }
0x5d: {  	_ =	shalt  }
0x5e: {  	_ =	shalt  }
0x5f: {  	_ =	shalt  }
0x60: {  	_ =	shalt  }
0x61: {  	_ =	shalt  }
0x62: {  	_ =	shalt  }
0x63: {  	_ =	shalt  }
0x64: {  	_ =	shalt  }
0x65: {  	_ =	shalt  }
0x66: {  	_ =	shalt  }
0x67: {  	_ =	shalt  }
0x68: {  	_ =	shalt  }
0x69: {  	_ =	shalt  }
0x6a: {  	_ =	shalt  }
0x6b: {  	_ =	shalt  }
0x6c: {  	_ =	shalt  }
0x6d: {  	_ =	shalt  }
0x6e: {  	_ =	shalt  }
0x6f: {  	_ =	shalt  }
0x70: {  	_ =	shalt  }
0x71: {  	_ =	shalt  }
0x72: {  	_ =	shalt  }
0x73: {  	_ =	shalt  }
0x74: {  	_ =	shalt  }
0x75: {  	_ =	shalt  }
0x76: {  	_ =	shalt  }
0x77: {  	_ =	shalt  }
0x78: {  	_ =	shalt  }
0x79: {  	_ =	shalt  }
0x7a: {  	_ =	shalt  }
0x7b: {  	_ =	shalt  }
0x7c: {  	_ =	shalt  }
0x7d: {  	_ =	shalt  }
0x7e: {  	_ =	shalt  }
0x7f: {  	_ =	shalt  }
0x80: {  	_ =	shalt  }
0x81: {  	_ =	shalt  }
0x82: {  	_ =	shalt  }
0x83: {  	_ =	shalt  }
0x84: {  	_ =	shalt  }
0x85: {  	_ =	shalt  }
0x86: {  	_ =	shalt  }
0x87: {  	_ =	shalt  }
.Lfunc_end0:
.L_simem_size_0:
called_computation.1_lowered:
.L_overlay_start_0:
0x88: {  	s2 =	sld [smem:$0x3FD9]  }
0x89: {  	s3 =	sld [smem:$0x3FFE];
	_ =	sdelay $0x1  }
0x8a: {  	s1 =	srdreg.scid  }
0x8b: {  	s0 =	sand.u32 $0x1, s1  }
0x8c: {  	s17 =	sshll.u32 s0, $0xA;
	s2 =	sadd.s32 s3, s2  }
0x8d: {  	s2 =	sadd.s32 s2, s17  }
0x8e: {  	[smem:$0x3FC5] =	sst s2  }
0x8f: {  	_ = 	snop  }
0x90: {  	s2 =	sld [smem:$0x3FD0];
	(tm) =	ssettm $0x1  }
0x91: {  	s18 =	sld [smem:$0x3FFB];
	_ =	sdelay $0x3  }
0x92: {  	_ =	strace s18  }
0x93: {  	s3 =	sld [smem:$0x3FFC];
	_ =	sdelay $0x3  }
0x94: {  	_ =	strace s3  }
0x95: {  	s3 =	sld [smem:$0x3FFD];
	_ =	sdelay $0x3  }
0x96: {  	_ =	strace s3  }
0x97: {  	_ =	strace $0x8FFFFFFF  }
0x98: {  	s19 =	sld [smem:$0x3FDB];
	_ =	sdelay $0x1  }
0x99: {  	s4 =	simm.s32 $_scs_section_size  }
0x9a: {  	s5 =	simm.s32 $_size__tile_overlayer_lowered;
	s6 =	simm.s32 $_tile_overlayer_lowered  }
0x9b: {  	s22 =	simm.s32 $0x1BFF;
	s21 =	sshll.u32 s6, $0x1;
	s3 =	sadd.s32 s4, s19  }
0x9c: {  	s7 =	simm.s32 $0x0;
	s20 =	sshll.u32 s5, $0x1;
	s5 =	sadd.s32 s21, s3  }
0x9d: {  	[timem:s7], [sflag:s22] =	dma.local [hbm:s5], s20  }
0x9e: {  	_ =	swait.ge [sflag:s22], s20  }
0x9f: {  	s4 =	ssub.s32 $0x0, s20;
	[sflag:s22] =	ssyncset.done $0x0  }
0xa0: {  	[sflag:s22] =	ssyncadd.s32 s4;
	_ =	sdelay $0x1  }
0xa1: {  	s23 =	simm.s32 $0x1B8B  }
0xa2: {  	_ =	swait.ge [sflag:s23], $0x1  }
0xa3: {  	[sflag:s23] =	ssyncset.done $0x0  }
0xa4: {  	s25 =	simm.s32 $0x1B8E;
	s24 =	sld [smem:$0x3FFE];
	[sflag:s23] =	ssyncadd.s32 $0xFFFFFFFF  }
0xa5: {  	s26 =	simm.s32 $execute0_lowered;
	[smem:$0x3FD2] =	sst s25  }
0xa6: {  	s5 =	sshll.u32 s26, $0x1;
	_ =	strace $0x80000046;
	[dreg:$0x1] =	wrdreg $0xFFFFFFFF  }
0xa7: {  	s28 =	simm.s32 $_size_execute0_lowered;
	s3 =	sadd.s32 s3, s5;
	[dreg:$0x0] =	wrdreg $0x0  }
0xa8: {  	s5 =	sshll.u32 s28, $0x1;
	[dreg:$0x2] =	wrdreg s3  }
0xa9: {  	[dreg:$0x3] =	wrdreg s5  }
0xaa: {  	[dreg:$0x4] =	wrdreg $0xC0  }
0xab: {  	_ =	task [dreg:s7], $0x5FFFF  }
0xac: {  	[dreg:$0x1] =	wrdreg $0xFFFFFFFF  }
0xad: {  	[dreg:$0x0] =	wrdreg $0x60  }
0xae: {  	[dreg:$0x2] =	wrdreg s24  }
0xaf: {  	[dreg:$0x3] =	wrdreg s2  }
0xb0: {  	[dreg:$0x4] =	wrdreg $0x9  }
0xb1: {  	_ =	task.clear_ibuf [dreg:s7], $0x5FFFF;
	_ =	strace $0x90000046  }
0xb2: {  	s29 =	simm.s32 $0x9;
	_ =	strace $0x80000048  }
0xb3: {  	_ =	swait.ge [sflag:s29], $0x1  }
0xb4: {  	[sflag:s29] =	ssyncadd.s32 $0xFFFFFFFF  }
0xb5: {  	_ =	strace $0x90000048  }
0xb6: {  	_ =	sfence  }
0xb7: {  	s30 =	sld [smem:$0x0];
	_ =	sdelay $0x2  }
0xb8: {  	s31 =	sshll.u32 s1, $0xD;
	s1 =	sshrl.u32 s1, $0x2  }
0xb9: {  	s3 =	sand.u32 $0x4000, s31;
	s1 =	sadd.s32 s1, s30  }
0xba: {  	s0 =	sor.u32 s3, s0;
	s1 =	sshll.u32 s1, $0x11  }
0xbb: {  	s0 =	sor.u32 s1, s0  }
0xbc: {  	s0 =	sadd.s32 $0x8F2B, s0  }
0xbd: {  	[sflag:s0] =	ssyncadd.remote.s32 $0x1  }
0xbe: {  	_ =	sfence.sel $0xFFFF  }
0xbf: {  	[dreg:$0x0] =	wrdreg $0xFFFFFFFF;
	(pc) =	sbr.abs _section_cstart, $3  }
0xc0: {  	[dreg:$0x1] =	wrdreg $0xFFFFFFFF  }
0xc1: {  	_ =	task.clear_ibuf [dreg:s7], $0x2FFFF;
	_ =	strace $0x9FFFFFFF  }
0xc2: {  	(tm) =	ssettm $0x7FFFFFFF  }
0xc3: {  	_ =	shalt  }
tec
execute0_lowered:
.L_overlay_start_1:
0x0: {  	(tag) =	ssettag $0x1  }
0x1: {  	s0 =	rddreg [dreg:$0x0]  }
0x2: {  	s1 =	rddreg [dreg:$0x1]  }
0x3: {  	s3 =	simm.s32 $0x0;
	s2 =	srdreg.scid;
	s4 =	stileid.u32  }
0x4: {  	s15 =	simm.s32 $0x1;
	s16 =	simm.s32 $0x64;
	s17 =	simm.s32 $0x3880  }
0x5: {  	s25 =	simm.s32 $0x9C80;
	s13 =	simm.s32 $0x10080;
	s22 =	simm.s32 $0x16480  }
0x6: {  	s29 =	simm.s32 $0x618;
	s30 =	simm.s32 $0x1AF80;
	s31 =	simm.s32 $0x2  }
0x7: {  	s12 =	simm.s32 $0x6;
	s14 =	simm.s32 $0x7;
	s18 =	simm.s32 $0x8  }
0x8: {  	s19 =	simm.s32 $0x9;
	s21 =	simm.s32 $0x0;
	[smem:$0x7FF] =	sst s3  }
0x9: {  	s2 =	sand.u32 $0x1, s2;
	s5 =	sshll.u32 s4, $0x1;
	s4 =	sadd.s32 $0xC00, s0  }
0xa: {  	_ =	strace $0x80000047;
	s7 =	ssub.s32 $0x2, s2;
	s2 =	sor.u32 s2, s5  }
0xb: {  	s5 =	sadd.s32 $0xF43000, s0;
	s0 =	sadd.s32 $0x1AC00, s0;
	s8 =	sshrl.u32 s7, $0x1  }
0xc: {  	s6 =	smul.u32 $0x6400, s2;
	[dreg:$0x3] =	wrdreg s0;
	s28 =	ssub.s32 s7, s8  }
0xd: {  	s8 =	smul.u32 $0x6800, s2;
	s2 =	simm.s32 $0x4;
	s7 =	simm.s32 $0x5  }
0xe: {  	s9 =	sor.u32 $0x190, s6;
	s10 =	sor.u32 $0x320, s6;
	s0 =	smax.u32 s28, $0x1  }
0xf: {  	s11 =	sadd.s32 $0x4B0, s6;
	[dreg:$0x4] =	wrdreg s0;
	s0 =	simm.s32 $0x3  }
.LBB2_1:
0x10: {  	[dreg:$0x5] =	wrdreg s21  }
0x11: {  	s20 =	rddreg [dreg:$0x3];
	s26 =	simm.s32 $0x680;
	s28 =	simm.s32 $0xA  }
0x12: {  	[tilespmem:s26], [sflag:$0xA] =	stream.linear.gather [hbm4b:s20+s3], $0x3200, $0x38;
	[tilespmem:$0x1C880] =	vst v63  }
0x13: {  	_ =	swait.ge [sflag:s28], $0x3200  }
0x14: {  	[sflag:s28] =	ssyncset.done $0x0  }
0x15: {  	s20 =	simm.s32 $0x0;
	[sflag:s28] =	ssyncadd.s32 $0xFFFFCE00  }
.LBB2_2:
0x16: {  	s21 =	smul.u32 $0x680, s20;
	_ =	sdelay $0x1  }
0x17: {  	s21 =	sadd.s32 s8, s21  }
0x18: {  	s21 =	sshrl.u32 s21, $0x3  }
0x19: {  	s21 =	sadd.s32 s4, s21  }
0x1a: {  	[tilespmem:s3], [sflag:$0x1] =	stream.linear.gather [hbm4b:s21+s3], $0x680, $0x38;
	[tilespmem:$0x1C880] =	vst v63  }
0x1b: {  	_ =	swait.ge [sflag:s15], $0x680  }
0x1c: {  	[sflag:s15] =	ssyncset.done $0x0  }
0x1d: {  	[sflag:s15] =	ssyncadd.s32 $0xFFFFF980  }
0x1e: {  	[tilespmem:s17], [sflag:$0x2] =	stream.indirect.gather [hbm4b:s5+s16], $0x40, s3, s16, $0xb8;
	[tilespmem:$0x1C880] =	vst v63  }
0x1f: {  	s24 =	simm.s32 $0x68;
	s23 =	simm.s32 $0x5180  }
0x20: {  	[tilespmem:s23], [sflag:$0x2] =	stream.indirect.gather [hbm4b:s5+s16], $0x40, s24, s16, $0xb8;
	[tilespmem:$0x1C880] =	vst v63  }
0x21: {  	s26 =	simm.s32 $0xD0;
	s28 =	simm.s32 $0x6A80  }
0x22: {  	[tilespmem:s28], [sflag:$0x2] =	stream.indirect.gather [hbm4b:s5+s16], $0x40, s26, s16, $0xb8;
	[tilespmem:$0x1C880] =	vst v63  }
0x23: {  	s24 =	simm.s32 $0x138;
	s26 =	simm.s32 $0x8380  }
0x24: {  	[tilespmem:s26], [sflag:$0x2] =	stream.indirect.gather [hbm4b:s5+s16], $0x40, s24, s16, $0xb8;
	[tilespmem:$0x1C880] =	vst v63  }
0x25: {  	s28 =	simm.s32 $0x1A0  }
0x26: {  	[tilespmem:s25], [sflag:$0x3] =	stream.indirect.gather [hbm4b:s5+s16], $0x40, s28, s16, $0xb8;
	[tilespmem:$0x1C880] =	vst v63  }
0x27: {  	s23 =	simm.s32 $0x208;
	s24 =	simm.s32 $0xB580  }
0x28: {  	[tilespmem:s24], [sflag:$0x3] =	stream.indirect.gather [hbm4b:s5+s16], $0x40, s23, s16, $0xb8;
	[tilespmem:$0x1C880] =	vst v63  }
0x29: {  	s26 =	simm.s32 $0x270;
	s28 =	simm.s32 $0xCE80  }
0x2a: {  	[tilespmem:s28], [sflag:$0x3] =	stream.indirect.gather [hbm4b:s5+s16], $0x40, s26, s16, $0xb8;
	[tilespmem:$0x1C880] =	vst v63  }
0x2b: {  	s24 =	simm.s32 $0x2D8;
	s26 =	simm.s32 $0xE780  }
0x2c: {  	[tilespmem:s26], [sflag:$0x3] =	stream.indirect.gather [hbm4b:s5+s16], $0x40, s24, s16, $0xb8;
	[tilespmem:$0x1C880] =	vst v63  }
0x2d: {  	s28 =	simm.s32 $0x340  }
0x2e: {  	[tilespmem:s13], [sflag:$0x4] =	stream.indirect.gather [hbm4b:s5+s16], $0x40, s28, s16, $0xb8;
	[tilespmem:$0x1C880] =	vst v63  }
0x2f: {  	s23 =	simm.s32 $0x3A8;
	s24 =	simm.s32 $0x11980  }
0x30: {  	[tilespmem:s24], [sflag:$0x4] =	stream.indirect.gather [hbm4b:s5+s16], $0x40, s23, s16, $0xb8;
	[tilespmem:$0x1C880] =	vst v63  }
0x31: {  	s26 =	simm.s32 $0x410;
	s28 =	simm.s32 $0x13280  }
0x32: {  	[tilespmem:s28], [sflag:$0x4] =	stream.indirect.gather [hbm4b:s5+s16], $0x40, s26, s16, $0xb8;
	[tilespmem:$0x1C880] =	vst v63  }
0x33: {  	s24 =	simm.s32 $0x478;
	s26 =	simm.s32 $0x14B80  }
0x34: {  	[tilespmem:s26], [sflag:$0x4] =	stream.indirect.gather [hbm4b:s5+s16], $0x40, s24, s16, $0xb8;
	[tilespmem:$0x1C880] =	vst v63  }
0x35: {  	s28 =	simm.s32 $0x4E0  }
0x36: {  	[tilespmem:s22], [sflag:$0x5] =	stream.indirect.gather [hbm4b:s5+s16], $0x40, s28, s16, $0xb8;
	[tilespmem:$0x1C880] =	vst v63  }
0x37: {  	s23 =	simm.s32 $0x548;
	s24 =	simm.s32 $0x17D80  }
0x38: {  	[tilespmem:s24], [sflag:$0x5] =	stream.indirect.gather [hbm4b:s5+s16], $0x40, s23, s16, $0xb8;
	[tilespmem:$0x1C880] =	vst v63  }
0x39: {  	s26 =	simm.s32 $0x5B0;
	s28 =	simm.s32 $0x19680  }
0x3a: {  	[tilespmem:s28], [sflag:$0x5] =	stream.indirect.gather [hbm4b:s5+s16], $0x40, s26, s16, $0xb8;
	[tilespmem:$0x1C880] =	vst v63  }
0x3b: {  	_ = 	snop  }
0x3c: {  	[tilespmem:s30], [sflag:$0x5] =	stream.indirect.gather [hbm4b:s5+s16], $0x40, s29, s16, $0xb8;
	[tilespmem:$0x1C880] =	vst v63  }
0x3d: {  	_ =	swait.ge [sflag:s31], $0x1900  }
0x3e: {  	[sflag:s31] =	ssyncset.done $0x0  }
0x3f: {  	[sflag:s31] =	ssyncadd.s32 $0xFFFFE700  }
0x40: {  	_ =	swait.ge [sflag:s31], $0x1900  }
0x41: {  	[sflag:s31] =	ssyncset.done $0x0  }
0x42: {  	[sflag:s31] =	ssyncadd.s32 $0xFFFFE700  }
0x43: {  	_ =	swait.ge [sflag:s31], $0x1900  }
0x44: {  	[sflag:s31] =	ssyncset.done $0x0  }
0x45: {  	[sflag:s31] =	ssyncadd.s32 $0xFFFFE700  }
0x46: {  	_ =	swait.ge [sflag:s31], $0x1900  }
0x47: {  	[sflag:s31] =	ssyncset.done $0x0  }
0x48: {  	s23 =	simm.s32 $0x6B70;
	[sflag:s31] =	ssyncadd.s32 $0xFFFFE700  }
0x49: {  	s21 =	simm.s32 $0x700;
	v0 =	vld [tilespmem:s23+$0xFFFFCDD0]  }
0x4a: {  	v1 =	vld [tilespmem:s21+$0x40]  }
0x4b: {  	v2 =	vld [tilespmem:s23+$0xFFFFCD50]  }
0x4c: {  	v3 =	vld [tilespmem:s21+$0xFFFFFFC0]  }
0x4d: {  	v4 =	vld [tilespmem:s23+$0xFFFFCD90]  }
0x4e: {  	v5 =	vld [tilespmem:s21+$0x0]  }
0x4f: {  	v6 =	vld [tilespmem:s23+$0xFFFFCD10];
	v0 =	vadd.f32 v1, v0  }
0x50: {  	v1 =	vld [tilespmem:s21+$0xFFFFFF80]  }
0x51: {  	[tilespmem:s23+$0xFFFFCDD0] =	vst v0;
	v0 =	vld [tilespmem:s23+$0xFFFFCDE0]  }
0x52: {  	v2 =	vadd.f32 v3, v2;
	v3 =	vld [tilespmem:s21+$0x50]  }
0x53: {  	v7 =	vld [tilespmem:s23+$0xFFFFCD20]  }
0x54: {  	[tilespmem:s23+$0xFFFFCD50] =	vst v2;
	v2 =	vadd.f32 v5, v4;
	v4 =	vld [tilespmem:s23+$0xFFFFCD60]  }
0x55: {  	v5 =	vld [tilespmem:s21+$0xFFFFFFD0];
	v1 =	vadd.f32 v1, v6  }
0x56: {  	[tilespmem:s23+$0xFFFFCD90] =	vst v2;
	v2 =	vld [tilespmem:s23+$0xFFFFCDA0]  }
0x57: {  	v6 =	vld [tilespmem:s21+$0x10];
	[tilespmem:s23+$0xFFFFCD10] =	vst v1;
	v0 =	vadd.f32 v3, v0  }
0x58: {  	v1 =	vld [tilespmem:s21+$0xFFFFFF90]  }
0x59: {  	[tilespmem:s23+$0xFFFFCDE0] =	vst v0;
	v0 =	vld [tilespmem:s23+$0xFFFFCDF0]  }
0x5a: {  	v3 =	vadd.f32 v5, v4;
	v4 =	vld [tilespmem:s21+$0x60]  }
0x5b: {  	v5 =	vld [tilespmem:s23+$0xFFFFCD30]  }
0x5c: {  	[tilespmem:s23+$0xFFFFCD60] =	vst v3;
	v2 =	vadd.f32 v6, v2;
	v3 =	vld [tilespmem:s23+$0xFFFFCD70]  }
0x5d: {  	v6 =	vld [tilespmem:s21+$0xFFFFFFE0];
	v1 =	vadd.f32 v1, v7  }
0x5e: {  	[tilespmem:s23+$0xFFFFCDA0] =	vst v2;
	v2 =	vld [tilespmem:s23+$0xFFFFCDB0]  }
0x5f: {  	v7 =	vld [tilespmem:s21+$0x20];
	[tilespmem:s23+$0xFFFFCD20] =	vst v1;
	v0 =	vadd.f32 v4, v0  }
0x60: {  	v1 =	vld [tilespmem:s21+$0xFFFFFFA0]  }
0x61: {  	[tilespmem:s23+$0xFFFFCDF0] =	vst v0;
	v0 =	vld [tilespmem:s23+$0xFFFFCE00]  }
0x62: {  	v3 =	vadd.f32 v6, v3;
	v4 =	vld [tilespmem:s21+$0x70]  }
0x63: {  	v6 =	vld [tilespmem:s23+$0xFFFFCD40]  }
0x64: {  	[tilespmem:s23+$0xFFFFCD70] =	vst v3;
	v2 =	vadd.f32 v7, v2;
	v3 =	vld [tilespmem:s23+$0xFFFFCD80]  }
0x65: {  	v7 =	vld [tilespmem:s21+$0xFFFFFFF0];
	v1 =	vadd.f32 v1, v5  }
0x66: {  	[tilespmem:s23+$0xFFFFCDB0] =	vst v2;
	v2 =	vld [tilespmem:s23+$0xFFFFCDC0]  }
0x67: {  	v5 =	vld [tilespmem:s21+$0x30];
	[tilespmem:s23+$0xFFFFCD30] =	vst v1;
	v0 =	vadd.f32 v4, v0  }
0x68: {  	v1 =	vld [tilespmem:s21+$0xFFFFFFB0]  }
0x69: {  	[tilespmem:s23+$0xFFFFCE00] =	vst v0;
	v0 =	vld [tilespmem:s23+$0xFFFFFFD0]  }
0x6a: {  	v3 =	vadd.f32 v7, v3;
	v4 =	vld [tilespmem:s21+$0x40]  }
0x6b: {  	v7 =	vld [tilespmem:s23+$0xFFFFFF10]  }
0x6c: {  	[tilespmem:s23+$0xFFFFCD80] =	vst v3;
	v2 =	vadd.f32 v5, v2;
	v3 =	vld [tilespmem:s23+$0xFFFFFF50]  }
0x6d: {  	v5 =	vld [tilespmem:s21+$0xFFFFFFC0];
	v1 =	vadd.f32 v1, v6  }
0x6e: {  	[tilespmem:s23+$0xFFFFCDC0] =	vst v2;
	v2 =	vld [tilespmem:s23+$0xFFFFFF90]  }
0x6f: {  	v6 =	vld [tilespmem:s21+$0x0];
	[tilespmem:s23+$0xFFFFCD40] =	vst v1;
	v0 =	vadd.f32 v4, v0  }
0x70: {  	v1 =	vld [tilespmem:s21+$0xFFFFFF80]  }
0x71: {  	[tilespmem:s23+$0xFFFFFFD0] =	vst v0;
	v0 =	vld [tilespmem:s23+$0xFFFFFFE0]  }
0x72: {  	v3 =	vadd.f32 v5, v3;
	v4 =	vld [tilespmem:s21+$0x50]  }
0x73: {  	v5 =	vld [tilespmem:s23+$0xFFFFFF20]  }
0x74: {  	[tilespmem:s23+$0xFFFFFF50] =	vst v3;
	v2 =	vadd.f32 v6, v2;
	v3 =	vld [tilespmem:s23+$0xFFFFFF60]  }
0x75: {  	v6 =	vld [tilespmem:s21+$0xFFFFFFD0];
	v1 =	vadd.f32 v1, v7  }
0x76: {  	[tilespmem:s23+$0xFFFFFF90] =	vst v2;
	v2 =	vld [tilespmem:s23+$0xFFFFFFA0]  }
0x77: {  	v7 =	vld [tilespmem:s21+$0x10];
	[tilespmem:s23+$0xFFFFFF10] =	vst v1;
	v0 =	vadd.f32 v4, v0  }
0x78: {  	v1 =	vld [tilespmem:s21+$0xFFFFFF90]  }
0x79: {  	[tilespmem:s23+$0xFFFFFFE0] =	vst v0;
	v0 =	vld [tilespmem:s23+$0xFFFFFFF0]  }
0x7a: {  	v3 =	vadd.f32 v6, v3;
	v4 =	vld [tilespmem:s21+$0x60]  }
0x7b: {  	v6 =	vld [tilespmem:s23+$0xFFFFFF30]  }
0x7c: {  	[tilespmem:s23+$0xFFFFFF60] =	vst v3;
	v2 =	vadd.f32 v7, v2;
	v3 =	vld [tilespmem:s23+$0xFFFFFF70]  }
0x7d: {  	v7 =	vld [tilespmem:s21+$0xFFFFFFE0];
	v1 =	vadd.f32 v1, v5  }
0x7e: {  	[tilespmem:s23+$0xFFFFFFA0] =	vst v2;
	v2 =	vld [tilespmem:s23+$0xFFFFFFB0]  }
0x7f: {  	v5 =	vld [tilespmem:s21+$0x20];
	[tilespmem:s23+$0xFFFFFF20] =	vst v1;
	v0 =	vadd.f32 v4, v0  }
0x80: {  	v4 =	vld [tilespmem:s21+$0xFFFFFFA0]  }
0x81: {  	v8 =	vld [tilespmem:s23+$0x0];
	[tilespmem:s23+$0xFFFFFFF0] =	vst v0  }
0x82: {  	v1 =	vadd.f32 v7, v3;
	v7 =	vld [tilespmem:s21+$0x70]  }
0x83: {  	v0 =	vld [tilespmem:s23+$0xFFFFFF40]  }
0x84: {  	[tilespmem:s23+$0xFFFFFF70] =	vst v1;
	v2 =	vadd.f32 v5, v2;
	v1 =	vld [tilespmem:s23+$0xFFFFFF80]  }
0x85: {  	v3 =	vld [tilespmem:s21+$0xFFFFFFF0];
	v4 =	vadd.f32 v4, v6  }
0x86: {  	[tilespmem:s23+$0xFFFFFFB0] =	vst v2;
	v2 =	vld [tilespmem:s23+$0xFFFFFFC0]  }
0x87: {  	[tilespmem:s23+$0xFFFFFF30] =	vst v4;
	v4 =	vld [tilespmem:s21+$0x30];
	v6 =	vadd.f32 v7, v8  }
0x88: {  	s24 =	simm.s32 $0x0;
	s26 =	simm.s32 $0x6C70;
	v5 =	vld [tilespmem:s21+$0xFFFFFFB0]  }
.LBB2_3:
0x89: {  	v7 =	vld [tilespmem:s26+$0xFFFFCDD0];
	[tilespmem:s23+$0x0] =	vst v6;
	s21 =	sadd.s32 $0x100, s21  }
0x8a: {  	s24 =	sadd.s32 $0x4, s24;
	v6 =	vld [tilespmem:s21+$0x40];
	v1 =	vadd.f32 v3, v1  }
0x8b: {  	p0 =	slt.u32 s24, $0xC4;
	v3 =	vld [tilespmem:s21+$0xFFFFFF80]  }
0x8c: {  	v8 =	vld [tilespmem:s26+$0xFFFFCD50];
	[tilespmem:s23+$0xFFFFFF80] =	vst v1;
	v1 =	vadd.f32 v4, v2  }
0x8d: {  	v2 =	vld [tilespmem:s21+$0xFFFFFFC0];
	v0 =	vadd.f32 v5, v0  }
0x8e: {  	v4 =	vld [tilespmem:s26+$0xFFFFCD90];
	[tilespmem:s23+$0xFFFFFFC0] =	vst v1  }
0x8f: {  	v1 =	vld [tilespmem:s21+$0x0];
	v5 =	vadd.f32 v6, v7;
	[tilespmem:s23+$0xFFFFFF40] =	vst v0;
	s23 =	smov.u32 s26  }
0x90: {  	v0 =	vld [tilespmem:s26+$0xFFFFCD10]  }
0x91: {  	[tilespmem:s26+$0xFFFFCDD0] =	vst v5;
	v5 =	vld [tilespmem:s26+$0xFFFFCDE0]  }
0x92: {  	v2 =	vadd.f32 v2, v8;
	v6 =	vld [tilespmem:s21+$0x50]  }
0x93: {  	v7 =	vld [tilespmem:s26+$0xFFFFCD20]  }
0x94: {  	[tilespmem:s26+$0xFFFFCD50] =	vst v2;
	v2 =	vld [tilespmem:s26+$0xFFFFCD60];
	v1 =	vadd.f32 v1, v4  }
0x95: {  	v0 =	vadd.f32 v3, v0;
	v3 =	vld [tilespmem:s21+$0xFFFFFFD0]  }
0x96: {  	[tilespmem:s26+$0xFFFFCD90] =	vst v1;
	v1 =	vld [tilespmem:s26+$0xFFFFCDA0]  }
0x97: {  	[tilespmem:s26+$0xFFFFCD10] =	vst v0;
	v0 =	vld [tilespmem:s21+$0x10];
	v4 =	vadd.f32 v6, v5  }
0x98: {  	v5 =	vld [tilespmem:s21+$0xFFFFFF90]  }
0x99: {  	[tilespmem:s26+$0xFFFFCDE0] =	vst v4;
	v4 =	vld [tilespmem:s26+$0xFFFFCDF0]  }
0x9a: {  	v2 =	vadd.f32 v3, v2;
	v3 =	vld [tilespmem:s21+$0x60]  }
0x9b: {  	v6 =	vld [tilespmem:s26+$0xFFFFCD30]  }
0x9c: {  	[tilespmem:s26+$0xFFFFCD60] =	vst v2;
	v2 =	vld [tilespmem:s26+$0xFFFFCD70];
	v0 =	vadd.f32 v0, v1  }
0x9d: {  	v1 =	vadd.f32 v5, v7;
	v5 =	vld [tilespmem:s21+$0xFFFFFFE0]  }
0x9e: {  	[tilespmem:s26+$0xFFFFCDA0] =	vst v0;
	v0 =	vld [tilespmem:s26+$0xFFFFCDB0]  }
0x9f: {  	[tilespmem:s26+$0xFFFFCD20] =	vst v1;
	v1 =	vld [tilespmem:s21+$0x20];
	v3 =	vadd.f32 v3, v4  }
0xa0: {  	v4 =	vld [tilespmem:s21+$0xFFFFFFA0]  }
0xa1: {  	[tilespmem:s26+$0xFFFFCDF0] =	vst v3;
	v3 =	vld [tilespmem:s26+$0xFFFFCE00]  }
0xa2: {  	v2 =	vadd.f32 v5, v2;
	v5 =	vld [tilespmem:s21+$0x70]  }
0xa3: {  	v7 =	vld [tilespmem:s26+$0xFFFFCD40]  }
0xa4: {  	[tilespmem:s26+$0xFFFFCD70] =	vst v2;
	v2 =	vld [tilespmem:s26+$0xFFFFCD80];
	v0 =	vadd.f32 v1, v0  }
0xa5: {  	v1 =	vadd.f32 v4, v6;
	v4 =	vld [tilespmem:s21+$0xFFFFFFF0]  }
0xa6: {  	[tilespmem:s26+$0xFFFFCDB0] =	vst v0;
	v0 =	vld [tilespmem:s26+$0xFFFFCDC0]  }
0xa7: {  	[tilespmem:s26+$0xFFFFCD30] =	vst v1;
	v1 =	vld [tilespmem:s21+$0x30];
	v3 =	vadd.f32 v5, v3  }
0xa8: {  	v5 =	vld [tilespmem:s21+$0xFFFFFFB0]  }
0xa9: {  	[tilespmem:s26+$0xFFFFCE00] =	vst v3;
	v3 =	vld [tilespmem:s26+$0xFFFFFFD0]  }
0xaa: {  	v2 =	vadd.f32 v4, v2;
	v4 =	vld [tilespmem:s21+$0x40]  }
0xab: {  	v6 =	vld [tilespmem:s26+$0xFFFFFF10]  }
0xac: {  	[tilespmem:s26+$0xFFFFCD80] =	vst v2;
	v2 =	vld [tilespmem:s26+$0xFFFFFF50];
	v0 =	vadd.f32 v1, v0  }
0xad: {  	v1 =	vadd.f32 v5, v7;
	v5 =	vld [tilespmem:s21+$0xFFFFFFC0]  }
0xae: {  	[tilespmem:s26+$0xFFFFCDC0] =	vst v0;
	v0 =	vld [tilespmem:s26+$0xFFFFFF90]  }
0xaf: {  	[tilespmem:s26+$0xFFFFCD40] =	vst v1;
	v1 =	vld [tilespmem:s21+$0x0];
	v3 =	vadd.f32 v4, v3  }
0xb0: {  	v4 =	vld [tilespmem:s21+$0xFFFFFF80]  }
0xb1: {  	[tilespmem:s26+$0xFFFFFFD0] =	vst v3;
	v3 =	vld [tilespmem:s26+$0xFFFFFFE0]  }
0xb2: {  	v2 =	vadd.f32 v5, v2;
	v5 =	vld [tilespmem:s21+$0x50]  }
0xb3: {  	v7 =	vld [tilespmem:s26+$0xFFFFFF20]  }
0xb4: {  	[tilespmem:s26+$0xFFFFFF50] =	vst v2;
	v2 =	vld [tilespmem:s26+$0xFFFFFF60];
	v0 =	vadd.f32 v1, v0  }
0xb5: {  	v1 =	vadd.f32 v4, v6;
	v4 =	vld [tilespmem:s21+$0xFFFFFFD0]  }
0xb6: {  	[tilespmem:s26+$0xFFFFFF90] =	vst v0;
	v0 =	vld [tilespmem:s26+$0xFFFFFFA0]  }
0xb7: {  	[tilespmem:s26+$0xFFFFFF10] =	vst v1;
	v1 =	vld [tilespmem:s21+$0x10];
	v3 =	vadd.f32 v5, v3  }
0xb8: {  	v5 =	vld [tilespmem:s21+$0xFFFFFF90]  }
0xb9: {  	[tilespmem:s26+$0xFFFFFFE0] =	vst v3;
	v3 =	vld [tilespmem:s26+$0xFFFFFFF0]  }
0xba: {  	v2 =	vadd.f32 v4, v2;
	v4 =	vld [tilespmem:s21+$0x60]  }
0xbb: {  	v6 =	vld [tilespmem:s26+$0xFFFFFF30]  }
0xbc: {  	[tilespmem:s26+$0xFFFFFF60] =	vst v2;
	v2 =	vld [tilespmem:s26+$0xFFFFFF70];
	v0 =	vadd.f32 v1, v0  }
0xbd: {  	v1 =	vadd.f32 v5, v7;
	v5 =	vld [tilespmem:s21+$0xFFFFFFE0]  }
0xbe: {  	[tilespmem:s26+$0xFFFFFFA0] =	vst v0;
	v7 =	vld [tilespmem:s26+$0xFFFFFFB0]  }
0xbf: {  	[tilespmem:s26+$0xFFFFFF20] =	vst v1;
	v8 =	vld [tilespmem:s21+$0x20];
	v0 =	vadd.f32 v4, v3  }
0xc0: {  	v3 =	vld [tilespmem:s21+$0xFFFFFFA0]  }
0xc1: {  	[tilespmem:s26+$0xFFFFFFF0] =	vst v0;
	v9 =	vld [tilespmem:s26+$0x0]  }
0xc2: {  	v1 =	vadd.f32 v5, v2;
	v5 =	vld [tilespmem:s21+$0x70]  }
0xc3: {  	v0 =	vld [tilespmem:s26+$0xFFFFFF40]  }
.Ltmp0:
0xc4: {  	[tilespmem:s26+$0xFFFFFF70] =	vst v1;
	v1 =	vld [tilespmem:s26+$0xFFFFFF80];
	v2 =	vadd.f32 v8, v7;
	(pc) =	sbr.rel @p0 .LBB2_3-.Ltmp0, $4  }
0xc5: {  	v4 =	vadd.f32 v3, v6;
	v3 =	vld [tilespmem:s21+$0xFFFFFFF0]  }
0xc6: {  	[tilespmem:s26+$0xFFFFFFB0] =	vst v2;
	v2 =	vld [tilespmem:s26+$0xFFFFFFC0]  }
0xc7: {  	[tilespmem:s26+$0xFFFFFF30] =	vst v4;
	v4 =	vld [tilespmem:s21+$0x30];
	v6 =	vadd.f32 v5, v9  }
0xc8: {  	s26 =	sadd.s32 $0x100, s26;
	v5 =	vld [tilespmem:s21+$0xFFFFFFB0]  }
0xc9: {  	_ =	sdelay $0x1  }
0xca: {  	s21 =	smul.u32 $0x640, s20;
	v1 =	vadd.f32 v3, v1  }
0xcb: {  	[tilespmem:s23+$0x0] =	vst v6;
	v2 =	vadd.f32 v4, v2  }
0xcc: {  	s24 =	sadd.s32 s6, s21;
	[tilespmem:s23+$0xFFFFFF80] =	vst v1;
	v0 =	vadd.f32 v5, v0  }
0xcd: {  	s24 =	sshll.u32 s24, $0x3;
	[tilespmem:s23+$0xFFFFFFC0] =	vst v2  }
0xce: {  	s26 =	sadd.s32 s1, s24;
	[tilespmem:s23+$0xFFFFFF40] =	vst v0  }
0xcf: {  	[hbm4b:s26+s3] =	stream.linear.scatter [tilespmem:s17], [sflag:$0x6], $0x6400, $0x38;
	[tilespmem:$0x1C880] =	vst v63  }
0xd0: {  	_ =	swait.ge [sflag:s0], $0x1900  }
0xd1: {  	[sflag:s0] =	ssyncset.done $0x0  }
0xd2: {  	[sflag:s0] =	ssyncadd.s32 $0xFFFFE700  }
0xd3: {  	_ =	swait.ge [sflag:s0], $0x1900  }
0xd4: {  	[sflag:s0] =	ssyncset.done $0x0  }
0xd5: {  	[sflag:s0] =	ssyncadd.s32 $0xFFFFE700  }
0xd6: {  	_ =	swait.ge [sflag:s0], $0x1900  }
0xd7: {  	[sflag:s0] =	ssyncset.done $0x0  }
0xd8: {  	[sflag:s0] =	ssyncadd.s32 $0xFFFFE700  }
0xd9: {  	_ =	swait.ge [sflag:s0], $0x1900  }
0xda: {  	[sflag:s0] =	ssyncset.done $0x0  }
0xdb: {  	s23 =	simm.s32 $0xCF70;
	[sflag:s0] =	ssyncadd.s32 $0xFFFFE700  }
0xdc: {  	s24 =	simm.s32 $0x700;
	v0 =	vld [tilespmem:s23+$0xFFFFCDD0]  }
0xdd: {  	v1 =	vld [tilespmem:s24+$0x40]  }
0xde: {  	v2 =	vld [tilespmem:s23+$0xFFFFCD50]  }
0xdf: {  	v3 =	vld [tilespmem:s24+$0xFFFFFFC0]  }
0xe0: {  	v4 =	vld [tilespmem:s23+$0xFFFFCD90]  }
0xe1: {  	v5 =	vld [tilespmem:s24+$0x0]  }
0xe2: {  	v6 =	vld [tilespmem:s23+$0xFFFFCD10];
	v0 =	vadd.f32 v1, v0  }
0xe3: {  	v1 =	vld [tilespmem:s24+$0xFFFFFF80]  }
0xe4: {  	[tilespmem:s23+$0xFFFFCDD0] =	vst v0;
	v0 =	vld [tilespmem:s23+$0xFFFFCDE0]  }
0xe5: {  	v2 =	vadd.f32 v3, v2;
	v3 =	vld [tilespmem:s24+$0x50]  }
0xe6: {  	v7 =	vld [tilespmem:s23+$0xFFFFCD20]  }
0xe7: {  	[tilespmem:s23+$0xFFFFCD50] =	vst v2;
	v2 =	vadd.f32 v5, v4;
	v4 =	vld [tilespmem:s23+$0xFFFFCD60]  }
0xe8: {  	v5 =	vld [tilespmem:s24+$0xFFFFFFD0];
	v1 =	vadd.f32 v1, v6  }
0xe9: {  	[tilespmem:s23+$0xFFFFCD90] =	vst v2;
	v2 =	vld [tilespmem:s23+$0xFFFFCDA0]  }
0xea: {  	v6 =	vld [tilespmem:s24+$0x10];
	[tilespmem:s23+$0xFFFFCD10] =	vst v1;
	v0 =	vadd.f32 v3, v0  }
0xeb: {  	v1 =	vld [tilespmem:s24+$0xFFFFFF90]  }
0xec: {  	[tilespmem:s23+$0xFFFFCDE0] =	vst v0;
	v0 =	vld [tilespmem:s23+$0xFFFFCDF0]  }
0xed: {  	v3 =	vadd.f32 v5, v4;
	v4 =	vld [tilespmem:s24+$0x60]  }
0xee: {  	v5 =	vld [tilespmem:s23+$0xFFFFCD30]  }
0xef: {  	[tilespmem:s23+$0xFFFFCD60] =	vst v3;
	v2 =	vadd.f32 v6, v2;
	v3 =	vld [tilespmem:s23+$0xFFFFCD70]  }
0xf0: {  	v6 =	vld [tilespmem:s24+$0xFFFFFFE0];
	v1 =	vadd.f32 v1, v7  }
0xf1: {  	[tilespmem:s23+$0xFFFFCDA0] =	vst v2;
	v2 =	vld [tilespmem:s23+$0xFFFFCDB0]  }
0xf2: {  	v7 =	vld [tilespmem:s24+$0x20];
	[tilespmem:s23+$0xFFFFCD20] =	vst v1;
	v0 =	vadd.f32 v4, v0  }
0xf3: {  	v1 =	vld [tilespmem:s24+$0xFFFFFFA0]  }
0xf4: {  	[tilespmem:s23+$0xFFFFCDF0] =	vst v0;
	v0 =	vld [tilespmem:s23+$0xFFFFCE00]  }
0xf5: {  	v3 =	vadd.f32 v6, v3;
	v4 =	vld [tilespmem:s24+$0x70]  }
0xf6: {  	v6 =	vld [tilespmem:s23+$0xFFFFCD40]  }
0xf7: {  	[tilespmem:s23+$0xFFFFCD70] =	vst v3;
	v2 =	vadd.f32 v7, v2;
	v3 =	vld [tilespmem:s23+$0xFFFFCD80]  }
0xf8: {  	v7 =	vld [tilespmem:s24+$0xFFFFFFF0];
	v1 =	vadd.f32 v1, v5  }
0xf9: {  	[tilespmem:s23+$0xFFFFCDB0] =	vst v2;
	v2 =	vld [tilespmem:s23+$0xFFFFCDC0]  }
0xfa: {  	v5 =	vld [tilespmem:s24+$0x30];
	[tilespmem:s23+$0xFFFFCD30] =	vst v1;
	v0 =	vadd.f32 v4, v0  }
0xfb: {  	v1 =	vld [tilespmem:s24+$0xFFFFFFB0]  }
0xfc: {  	[tilespmem:s23+$0xFFFFCE00] =	vst v0;
	v0 =	vld [tilespmem:s23+$0xFFFFFFD0]  }
0xfd: {  	v3 =	vadd.f32 v7, v3;
	v4 =	vld [tilespmem:s24+$0x40]  }
0xfe: {  	v7 =	vld [tilespmem:s23+$0xFFFFFF10]  }
0xff: {  	[tilespmem:s23+$0xFFFFCD80] =	vst v3;
	v2 =	vadd.f32 v5, v2;
	v3 =	vld [tilespmem:s23+$0xFFFFFF50]  }
0x100: {  	v5 =	vld [tilespmem:s24+$0xFFFFFFC0];
	v1 =	vadd.f32 v1, v6  }
0x101: {  	[tilespmem:s23+$0xFFFFCDC0] =	vst v2;
	v2 =	vld [tilespmem:s23+$0xFFFFFF90]  }
0x102: {  	v6 =	vld [tilespmem:s24+$0x0];
	[tilespmem:s23+$0xFFFFCD40] =	vst v1;
	v0 =	vadd.f32 v4, v0  }
0x103: {  	v1 =	vld [tilespmem:s24+$0xFFFFFF80]  }
0x104: {  	[tilespmem:s23+$0xFFFFFFD0] =	vst v0;
	v0 =	vld [tilespmem:s23+$0xFFFFFFE0]  }
0x105: {  	v3 =	vadd.f32 v5, v3;
	v4 =	vld [tilespmem:s24+$0x50]  }
0x106: {  	v5 =	vld [tilespmem:s23+$0xFFFFFF20]  }
0x107: {  	[tilespmem:s23+$0xFFFFFF50] =	vst v3;
	v2 =	vadd.f32 v6, v2;
	v3 =	vld [tilespmem:s23+$0xFFFFFF60]  }
0x108: {  	v6 =	vld [tilespmem:s24+$0xFFFFFFD0];
	v1 =	vadd.f32 v1, v7  }
0x109: {  	[tilespmem:s23+$0xFFFFFF90] =	vst v2;
	v2 =	vld [tilespmem:s23+$0xFFFFFFA0]  }
0x10a: {  	v7 =	vld [tilespmem:s24+$0x10];
	[tilespmem:s23+$0xFFFFFF10] =	vst v1;
	v0 =	vadd.f32 v4, v0  }
0x10b: {  	v1 =	vld [tilespmem:s24+$0xFFFFFF90]  }
0x10c: {  	[tilespmem:s23+$0xFFFFFFE0] =	vst v0;
	v0 =	vld [tilespmem:s23+$0xFFFFFFF0]  }
0x10d: {  	v3 =	vadd.f32 v6, v3;
	v4 =	vld [tilespmem:s24+$0x60]  }
0x10e: {  	v6 =	vld [tilespmem:s23+$0xFFFFFF30]  }
0x10f: {  	[tilespmem:s23+$0xFFFFFF60] =	vst v3;
	v2 =	vadd.f32 v7, v2;
	v3 =	vld [tilespmem:s23+$0xFFFFFF70]  }
0x110: {  	v7 =	vld [tilespmem:s24+$0xFFFFFFE0];
	v1 =	vadd.f32 v1, v5  }
0x111: {  	[tilespmem:s23+$0xFFFFFFA0] =	vst v2;
	v2 =	vld [tilespmem:s23+$0xFFFFFFB0]  }
0x112: {  	v5 =	vld [tilespmem:s24+$0x20];
	[tilespmem:s23+$0xFFFFFF20] =	vst v1;
	v0 =	vadd.f32 v4, v0  }
0x113: {  	v4 =	vld [tilespmem:s24+$0xFFFFFFA0]  }
0x114: {  	v8 =	vld [tilespmem:s23+$0x0];
	[tilespmem:s23+$0xFFFFFFF0] =	vst v0  }
0x115: {  	v1 =	vadd.f32 v7, v3;
	v7 =	vld [tilespmem:s24+$0x70]  }
0x116: {  	v0 =	vld [tilespmem:s23+$0xFFFFFF40]  }
0x117: {  	[tilespmem:s23+$0xFFFFFF70] =	vst v1;
	v2 =	vadd.f32 v5, v2;
	v1 =	vld [tilespmem:s23+$0xFFFFFF80]  }
0x118: {  	v3 =	vld [tilespmem:s24+$0xFFFFFFF0];
	v4 =	vadd.f32 v4, v6  }
0x119: {  	[tilespmem:s23+$0xFFFFFFB0] =	vst v2;
	v2 =	vld [tilespmem:s23+$0xFFFFFFC0]  }
0x11a: {  	[tilespmem:s23+$0xFFFFFF30] =	vst v4;
	v4 =	vld [tilespmem:s24+$0x30];
	v6 =	vadd.f32 v7, v8  }
0x11b: {  	s28 =	simm.s32 $0xD070;
	s26 =	simm.s32 $0x0;
	v5 =	vld [tilespmem:s24+$0xFFFFFFB0]  }
.LBB2_5:
0x11c: {  	v7 =	vld [tilespmem:s28+$0xFFFFCDD0];
	[tilespmem:s23+$0x0] =	vst v6;
	s24 =	sadd.s32 $0x100, s24  }
0x11d: {  	s26 =	sadd.s32 $0x4, s26;
	v6 =	vld [tilespmem:s24+$0x40];
	v1 =	vadd.f32 v3, v1  }
0x11e: {  	p0 =	slt.u32 s26, $0xC4;
	v3 =	vld [tilespmem:s24+$0xFFFFFF80]  }
0x11f: {  	v8 =	vld [tilespmem:s28+$0xFFFFCD50];
	[tilespmem:s23+$0xFFFFFF80] =	vst v1;
	v1 =	vadd.f32 v4, v2  }
0x120: {  	v2 =	vld [tilespmem:s24+$0xFFFFFFC0];
	v0 =	vadd.f32 v5, v0  }
0x121: {  	v4 =	vld [tilespmem:s28+$0xFFFFCD90];
	[tilespmem:s23+$0xFFFFFFC0] =	vst v1  }
0x122: {  	v1 =	vld [tilespmem:s24+$0x0];
	v5 =	vadd.f32 v6, v7;
	[tilespmem:s23+$0xFFFFFF40] =	vst v0;
	s23 =	smov.u32 s28  }
0x123: {  	v0 =	vld [tilespmem:s28+$0xFFFFCD10]  }
0x124: {  	[tilespmem:s28+$0xFFFFCDD0] =	vst v5;
	v5 =	vld [tilespmem:s28+$0xFFFFCDE0]  }
0x125: {  	v2 =	vadd.f32 v2, v8;
	v6 =	vld [tilespmem:s24+$0x50]  }
0x126: {  	v7 =	vld [tilespmem:s28+$0xFFFFCD20]  }
0x127: {  	[tilespmem:s28+$0xFFFFCD50] =	vst v2;
	v2 =	vld [tilespmem:s28+$0xFFFFCD60];
	v1 =	vadd.f32 v1, v4  }
0x128: {  	v0 =	vadd.f32 v3, v0;
	v3 =	vld [tilespmem:s24+$0xFFFFFFD0]  }
0x129: {  	[tilespmem:s28+$0xFFFFCD90] =	vst v1;
	v1 =	vld [tilespmem:s28+$0xFFFFCDA0]  }
0x12a: {  	[tilespmem:s28+$0xFFFFCD10] =	vst v0;
	v0 =	vld [tilespmem:s24+$0x10];
	v4 =	vadd.f32 v6, v5  }
0x12b: {  	v5 =	vld [tilespmem:s24+$0xFFFFFF90]  }
0x12c: {  	[tilespmem:s28+$0xFFFFCDE0] =	vst v4;
	v4 =	vld [tilespmem:s28+$0xFFFFCDF0]  }
0x12d: {  	v2 =	vadd.f32 v3, v2;
	v3 =	vld [tilespmem:s24+$0x60]  }
0x12e: {  	v6 =	vld [tilespmem:s28+$0xFFFFCD30]  }
0x12f: {  	[tilespmem:s28+$0xFFFFCD60] =	vst v2;
	v2 =	vld [tilespmem:s28+$0xFFFFCD70];
	v0 =	vadd.f32 v0, v1  }
0x130: {  	v1 =	vadd.f32 v5, v7;
	v5 =	vld [tilespmem:s24+$0xFFFFFFE0]  }
0x131: {  	[tilespmem:s28+$0xFFFFCDA0] =	vst v0;
	v0 =	vld [tilespmem:s28+$0xFFFFCDB0]  }
0x132: {  	[tilespmem:s28+$0xFFFFCD20] =	vst v1;
	v1 =	vld [tilespmem:s24+$0x20];
	v3 =	vadd.f32 v3, v4  }
0x133: {  	v4 =	vld [tilespmem:s24+$0xFFFFFFA0]  }
0x134: {  	[tilespmem:s28+$0xFFFFCDF0] =	vst v3;
	v3 =	vld [tilespmem:s28+$0xFFFFCE00]  }
0x135: {  	v2 =	vadd.f32 v5, v2;
	v5 =	vld [tilespmem:s24+$0x70]  }
0x136: {  	v7 =	vld [tilespmem:s28+$0xFFFFCD40]  }
0x137: {  	[tilespmem:s28+$0xFFFFCD70] =	vst v2;
	v2 =	vld [tilespmem:s28+$0xFFFFCD80];
	v0 =	vadd.f32 v1, v0  }
0x138: {  	v1 =	vadd.f32 v4, v6;
	v4 =	vld [tilespmem:s24+$0xFFFFFFF0]  }
0x139: {  	[tilespmem:s28+$0xFFFFCDB0] =	vst v0;
	v0 =	vld [tilespmem:s28+$0xFFFFCDC0]  }
0x13a: {  	[tilespmem:s28+$0xFFFFCD30] =	vst v1;
	v1 =	vld [tilespmem:s24+$0x30];
	v3 =	vadd.f32 v5, v3  }
0x13b: {  	v5 =	vld [tilespmem:s24+$0xFFFFFFB0]  }
0x13c: {  	[tilespmem:s28+$0xFFFFCE00] =	vst v3;
	v3 =	vld [tilespmem:s28+$0xFFFFFFD0]  }
0x13d: {  	v2 =	vadd.f32 v4, v2;
	v4 =	vld [tilespmem:s24+$0x40]  }
0x13e: {  	v6 =	vld [tilespmem:s28+$0xFFFFFF10]  }
0x13f: {  	[tilespmem:s28+$0xFFFFCD80] =	vst v2;
	v2 =	vld [tilespmem:s28+$0xFFFFFF50];
	v0 =	vadd.f32 v1, v0  }
0x140: {  	v1 =	vadd.f32 v5, v7;
	v5 =	vld [tilespmem:s24+$0xFFFFFFC0]  }
0x141: {  	[tilespmem:s28+$0xFFFFCDC0] =	vst v0;
	v0 =	vld [tilespmem:s28+$0xFFFFFF90]  }
0x142: {  	[tilespmem:s28+$0xFFFFCD40] =	vst v1;
	v1 =	vld [tilespmem:s24+$0x0];
	v3 =	vadd.f32 v4, v3  }
0x143: {  	v4 =	vld [tilespmem:s24+$0xFFFFFF80]  }
0x144: {  	[tilespmem:s28+$0xFFFFFFD0] =	vst v3;
	v3 =	vld [tilespmem:s28+$0xFFFFFFE0]  }
0x145: {  	v2 =	vadd.f32 v5, v2;
	v5 =	vld [tilespmem:s24+$0x50]  }
0x146: {  	v7 =	vld [tilespmem:s28+$0xFFFFFF20]  }
0x147: {  	[tilespmem:s28+$0xFFFFFF50] =	vst v2;
	v2 =	vld [tilespmem:s28+$0xFFFFFF60];
	v0 =	vadd.f32 v1, v0  }
0x148: {  	v1 =	vadd.f32 v4, v6;
	v4 =	vld [tilespmem:s24+$0xFFFFFFD0]  }
0x149: {  	[tilespmem:s28+$0xFFFFFF90] =	vst v0;
	v0 =	vld [tilespmem:s28+$0xFFFFFFA0]  }
0x14a: {  	[tilespmem:s28+$0xFFFFFF10] =	vst v1;
	v1 =	vld [tilespmem:s24+$0x10];
	v3 =	vadd.f32 v5, v3  }
0x14b: {  	v5 =	vld [tilespmem:s24+$0xFFFFFF90]  }
0x14c: {  	[tilespmem:s28+$0xFFFFFFE0] =	vst v3;
	v3 =	vld [tilespmem:s28+$0xFFFFFFF0]  }
0x14d: {  	v2 =	vadd.f32 v4, v2;
	v4 =	vld [tilespmem:s24+$0x60]  }
0x14e: {  	v6 =	vld [tilespmem:s28+$0xFFFFFF30]  }
0x14f: {  	[tilespmem:s28+$0xFFFFFF60] =	vst v2;
	v2 =	vld [tilespmem:s28+$0xFFFFFF70];
	v0 =	vadd.f32 v1, v0  }
0x150: {  	v1 =	vadd.f32 v5, v7;
	v5 =	vld [tilespmem:s24+$0xFFFFFFE0]  }
0x151: {  	[tilespmem:s28+$0xFFFFFFA0] =	vst v0;
	v7 =	vld [tilespmem:s28+$0xFFFFFFB0]  }
0x152: {  	[tilespmem:s28+$0xFFFFFF20] =	vst v1;
	v8 =	vld [tilespmem:s24+$0x20];
	v0 =	vadd.f32 v4, v3  }
0x153: {  	v3 =	vld [tilespmem:s24+$0xFFFFFFA0]  }
0x154: {  	[tilespmem:s28+$0xFFFFFFF0] =	vst v0;
	v9 =	vld [tilespmem:s28+$0x0]  }
0x155: {  	v1 =	vadd.f32 v5, v2;
	v5 =	vld [tilespmem:s24+$0x70]  }
0x156: {  	v0 =	vld [tilespmem:s28+$0xFFFFFF40]  }
.Ltmp1:
0x157: {  	[tilespmem:s28+$0xFFFFFF70] =	vst v1;
	v1 =	vld [tilespmem:s28+$0xFFFFFF80];
	v2 =	vadd.f32 v8, v7;
	(pc) =	sbr.rel @p0 .LBB2_5-.Ltmp1, $4  }
0x158: {  	v4 =	vadd.f32 v3, v6;
	v3 =	vld [tilespmem:s24+$0xFFFFFFF0]  }
0x159: {  	[tilespmem:s28+$0xFFFFFFB0] =	vst v2;
	v2 =	vld [tilespmem:s28+$0xFFFFFFC0]  }
0x15a: {  	[tilespmem:s28+$0xFFFFFF30] =	vst v4;
	v4 =	vld [tilespmem:s24+$0x30];
	v6 =	vadd.f32 v5, v9  }
0x15b: {  	s28 =	sadd.s32 $0x100, s28;
	v5 =	vld [tilespmem:s24+$0xFFFFFFB0]  }
0x15c: {  	_ =	sdelay $0x1  }
0x15d: {  	v1 =	vadd.f32 v3, v1  }
0x15e: {  	[tilespmem:s23+$0x0] =	vst v6;
	s24 =	sadd.s32 s21, s9;
	v2 =	vadd.f32 v4, v2  }
0x15f: {  	s24 =	sshll.u32 s24, $0x3;
	[tilespmem:s23+$0xFFFFFF80] =	vst v1;
	v0 =	vadd.f32 v5, v0  }
0x160: {  	s24 =	sand.u32 $0x1FFFFE80, s24;
	[tilespmem:s23+$0xFFFFFFC0] =	vst v2  }
0x161: {  	s26 =	sadd.s32 s1, s24;
	[tilespmem:s23+$0xFFFFFF40] =	vst v0  }
0x162: {  	[hbm4b:s26+s3] =	stream.linear.scatter [tilespmem:s25], [sflag:$0x7], $0x6400, $0x38;
	[tilespmem:$0x1C880] =	vst v63  }
0x163: {  	_ =	swait.ge [sflag:s2], $0x1900  }
0x164: {  	[sflag:s2] =	ssyncset.done $0x0  }
0x165: {  	[sflag:s2] =	ssyncadd.s32 $0xFFFFE700  }
0x166: {  	_ =	swait.ge [sflag:s2], $0x1900  }
0x167: {  	[sflag:s2] =	ssyncset.done $0x0  }
0x168: {  	[sflag:s2] =	ssyncadd.s32 $0xFFFFE700  }
0x169: {  	_ =	swait.ge [sflag:s2], $0x1900  }
0x16a: {  	[sflag:s2] =	ssyncset.done $0x0  }
0x16b: {  	[sflag:s2] =	ssyncadd.s32 $0xFFFFE700  }
0x16c: {  	_ =	swait.ge [sflag:s2], $0x1900  }
0x16d: {  	[sflag:s2] =	ssyncset.done $0x0  }
0x16e: {  	s23 =	simm.s32 $0x13370;
	[sflag:s2] =	ssyncadd.s32 $0xFFFFE700  }
0x16f: {  	s24 =	simm.s32 $0x700;
	v0 =	vld [tilespmem:s23+$0xFFFFCDD0]  }
0x170: {  	v1 =	vld [tilespmem:s24+$0x40]  }
0x171: {  	v2 =	vld [tilespmem:s23+$0xFFFFCD50]  }
0x172: {  	v3 =	vld [tilespmem:s24+$0xFFFFFFC0]  }
0x173: {  	v4 =	vld [tilespmem:s23+$0xFFFFCD90]  }
0x174: {  	v5 =	vld [tilespmem:s24+$0x0]  }
0x175: {  	v6 =	vld [tilespmem:s23+$0xFFFFCD10];
	v0 =	vadd.f32 v1, v0  }
0x176: {  	v1 =	vld [tilespmem:s24+$0xFFFFFF80]  }
0x177: {  	[tilespmem:s23+$0xFFFFCDD0] =	vst v0;
	v0 =	vld [tilespmem:s23+$0xFFFFCDE0]  }
0x178: {  	v2 =	vadd.f32 v3, v2;
	v3 =	vld [tilespmem:s24+$0x50]  }
0x179: {  	v7 =	vld [tilespmem:s23+$0xFFFFCD20]  }
0x17a: {  	[tilespmem:s23+$0xFFFFCD50] =	vst v2;
	v2 =	vadd.f32 v5, v4;
	v4 =	vld [tilespmem:s23+$0xFFFFCD60]  }
0x17b: {  	v5 =	vld [tilespmem:s24+$0xFFFFFFD0];
	v1 =	vadd.f32 v1, v6  }
0x17c: {  	[tilespmem:s23+$0xFFFFCD90] =	vst v2;
	v2 =	vld [tilespmem:s23+$0xFFFFCDA0]  }
0x17d: {  	v6 =	vld [tilespmem:s24+$0x10];
	[tilespmem:s23+$0xFFFFCD10] =	vst v1;
	v0 =	vadd.f32 v3, v0  }
0x17e: {  	v1 =	vld [tilespmem:s24+$0xFFFFFF90]  }
0x17f: {  	[tilespmem:s23+$0xFFFFCDE0] =	vst v0;
	v0 =	vld [tilespmem:s23+$0xFFFFCDF0]  }
0x180: {  	v3 =	vadd.f32 v5, v4;
	v4 =	vld [tilespmem:s24+$0x60]  }
0x181: {  	v5 =	vld [tilespmem:s23+$0xFFFFCD30]  }
0x182: {  	[tilespmem:s23+$0xFFFFCD60] =	vst v3;
	v2 =	vadd.f32 v6, v2;
	v3 =	vld [tilespmem:s23+$0xFFFFCD70]  }
0x183: {  	v6 =	vld [tilespmem:s24+$0xFFFFFFE0];
	v1 =	vadd.f32 v1, v7  }
0x184: {  	[tilespmem:s23+$0xFFFFCDA0] =	vst v2;
	v2 =	vld [tilespmem:s23+$0xFFFFCDB0]  }
0x185: {  	v7 =	vld [tilespmem:s24+$0x20];
	[tilespmem:s23+$0xFFFFCD20] =	vst v1;
	v0 =	vadd.f32 v4, v0  }
0x186: {  	v1 =	vld [tilespmem:s24+$0xFFFFFFA0]  }
0x187: {  	[tilespmem:s23+$0xFFFFCDF0] =	vst v0;
	v0 =	vld [tilespmem:s23+$0xFFFFCE00]  }
0x188: {  	v3 =	vadd.f32 v6, v3;
	v4 =	vld [tilespmem:s24+$0x70]  }
0x189: {  	v6 =	vld [tilespmem:s23+$0xFFFFCD40]  }
0x18a: {  	[tilespmem:s23+$0xFFFFCD70] =	vst v3;
	v2 =	vadd.f32 v7, v2;
	v3 =	vld [tilespmem:s23+$0xFFFFCD80]  }
0x18b: {  	v7 =	vld [tilespmem:s24+$0xFFFFFFF0];
	v1 =	vadd.f32 v1, v5  }
0x18c: {  	[tilespmem:s23+$0xFFFFCDB0] =	vst v2;
	v2 =	vld [tilespmem:s23+$0xFFFFCDC0]  }
0x18d: {  	v5 =	vld [tilespmem:s24+$0x30];
	[tilespmem:s23+$0xFFFFCD30] =	vst v1;
	v0 =	vadd.f32 v4, v0  }
0x18e: {  	v1 =	vld [tilespmem:s24+$0xFFFFFFB0]  }
0x18f: {  	[tilespmem:s23+$0xFFFFCE00] =	vst v0;
	v0 =	vld [tilespmem:s23+$0xFFFFFFD0]  }
0x190: {  	v3 =	vadd.f32 v7, v3;
	v4 =	vld [tilespmem:s24+$0x40]  }
0x191: {  	v7 =	vld [tilespmem:s23+$0xFFFFFF10]  }
0x192: {  	[tilespmem:s23+$0xFFFFCD80] =	vst v3;
	v2 =	vadd.f32 v5, v2;
	v3 =	vld [tilespmem:s23+$0xFFFFFF50]  }
0x193: {  	v5 =	vld [tilespmem:s24+$0xFFFFFFC0];
	v1 =	vadd.f32 v1, v6  }
0x194: {  	[tilespmem:s23+$0xFFFFCDC0] =	vst v2;
	v2 =	vld [tilespmem:s23+$0xFFFFFF90]  }
0x195: {  	v6 =	vld [tilespmem:s24+$0x0];
	[tilespmem:s23+$0xFFFFCD40] =	vst v1;
	v0 =	vadd.f32 v4, v0  }
0x196: {  	v1 =	vld [tilespmem:s24+$0xFFFFFF80]  }
0x197: {  	[tilespmem:s23+$0xFFFFFFD0] =	vst v0;
	v0 =	vld [tilespmem:s23+$0xFFFFFFE0]  }
0x198: {  	v3 =	vadd.f32 v5, v3;
	v4 =	vld [tilespmem:s24+$0x50]  }
0x199: {  	v5 =	vld [tilespmem:s23+$0xFFFFFF20]  }
0x19a: {  	[tilespmem:s23+$0xFFFFFF50] =	vst v3;
	v2 =	vadd.f32 v6, v2;
	v3 =	vld [tilespmem:s23+$0xFFFFFF60]  }
0x19b: {  	v6 =	vld [tilespmem:s24+$0xFFFFFFD0];
	v1 =	vadd.f32 v1, v7  }
0x19c: {  	[tilespmem:s23+$0xFFFFFF90] =	vst v2;
	v2 =	vld [tilespmem:s23+$0xFFFFFFA0]  }
0x19d: {  	v7 =	vld [tilespmem:s24+$0x10];
	[tilespmem:s23+$0xFFFFFF10] =	vst v1;
	v0 =	vadd.f32 v4, v0  }
0x19e: {  	v1 =	vld [tilespmem:s24+$0xFFFFFF90]  }
0x19f: {  	[tilespmem:s23+$0xFFFFFFE0] =	vst v0;
	v0 =	vld [tilespmem:s23+$0xFFFFFFF0]  }
0x1a0: {  	v3 =	vadd.f32 v6, v3;
	v4 =	vld [tilespmem:s24+$0x60]  }
0x1a1: {  	v6 =	vld [tilespmem:s23+$0xFFFFFF30]  }
0x1a2: {  	[tilespmem:s23+$0xFFFFFF60] =	vst v3;
	v2 =	vadd.f32 v7, v2;
	v3 =	vld [tilespmem:s23+$0xFFFFFF70]  }
0x1a3: {  	v7 =	vld [tilespmem:s24+$0xFFFFFFE0];
	v1 =	vadd.f32 v1, v5  }
0x1a4: {  	[tilespmem:s23+$0xFFFFFFA0] =	vst v2;
	v2 =	vld [tilespmem:s23+$0xFFFFFFB0]  }
0x1a5: {  	v5 =	vld [tilespmem:s24+$0x20];
	[tilespmem:s23+$0xFFFFFF20] =	vst v1;
	v0 =	vadd.f32 v4, v0  }
0x1a6: {  	v4 =	vld [tilespmem:s24+$0xFFFFFFA0]  }
0x1a7: {  	v8 =	vld [tilespmem:s23+$0x0];
	[tilespmem:s23+$0xFFFFFFF0] =	vst v0  }
0x1a8: {  	v1 =	vadd.f32 v7, v3;
	v7 =	vld [tilespmem:s24+$0x70]  }
0x1a9: {  	v0 =	vld [tilespmem:s23+$0xFFFFFF40]  }
0x1aa: {  	[tilespmem:s23+$0xFFFFFF70] =	vst v1;
	v2 =	vadd.f32 v5, v2;
	v1 =	vld [tilespmem:s23+$0xFFFFFF80]  }
0x1ab: {  	v3 =	vld [tilespmem:s24+$0xFFFFFFF0];
	v4 =	vadd.f32 v4, v6  }
0x1ac: {  	[tilespmem:s23+$0xFFFFFFB0] =	vst v2;
	v2 =	vld [tilespmem:s23+$0xFFFFFFC0]  }
0x1ad: {  	[tilespmem:s23+$0xFFFFFF30] =	vst v4;
	v4 =	vld [tilespmem:s24+$0x30];
	v6 =	vadd.f32 v7, v8  }
0x1ae: {  	s28 =	simm.s32 $0x13470;
	s26 =	simm.s32 $0x0;
	v5 =	vld [tilespmem:s24+$0xFFFFFFB0]  }
.LBB2_7:
0x1af: {  	v7 =	vld [tilespmem:s28+$0xFFFFCDD0];
	[tilespmem:s23+$0x0] =	vst v6;
	s24 =	sadd.s32 $0x100, s24  }
0x1b0: {  	s26 =	sadd.s32 $0x4, s26;
	v6 =	vld [tilespmem:s24+$0x40];
	v1 =	vadd.f32 v3, v1  }
0x1b1: {  	p0 =	slt.u32 s26, $0xC4;
	v3 =	vld [tilespmem:s24+$0xFFFFFF80]  }
0x1b2: {  	v8 =	vld [tilespmem:s28+$0xFFFFCD50];
	[tilespmem:s23+$0xFFFFFF80] =	vst v1;
	v1 =	vadd.f32 v4, v2  }
0x1b3: {  	v2 =	vld [tilespmem:s24+$0xFFFFFFC0];
	v0 =	vadd.f32 v5, v0  }
0x1b4: {  	v4 =	vld [tilespmem:s28+$0xFFFFCD90];
	[tilespmem:s23+$0xFFFFFFC0] =	vst v1  }
0x1b5: {  	v1 =	vld [tilespmem:s24+$0x0];
	v5 =	vadd.f32 v6, v7;
	[tilespmem:s23+$0xFFFFFF40] =	vst v0;
	s23 =	smov.u32 s28  }
0x1b6: {  	v0 =	vld [tilespmem:s28+$0xFFFFCD10]  }
0x1b7: {  	[tilespmem:s28+$0xFFFFCDD0] =	vst v5;
	v5 =	vld [tilespmem:s28+$0xFFFFCDE0]  }
0x1b8: {  	v2 =	vadd.f32 v2, v8;
	v6 =	vld [tilespmem:s24+$0x50]  }
0x1b9: {  	v7 =	vld [tilespmem:s28+$0xFFFFCD20]  }
0x1ba: {  	[tilespmem:s28+$0xFFFFCD50] =	vst v2;
	v2 =	vld [tilespmem:s28+$0xFFFFCD60];
	v1 =	vadd.f32 v1, v4  }
0x1bb: {  	v0 =	vadd.f32 v3, v0;
	v3 =	vld [tilespmem:s24+$0xFFFFFFD0]  }
0x1bc: {  	[tilespmem:s28+$0xFFFFCD90] =	vst v1;
	v1 =	vld [tilespmem:s28+$0xFFFFCDA0]  }
0x1bd: {  	[tilespmem:s28+$0xFFFFCD10] =	vst v0;
	v0 =	vld [tilespmem:s24+$0x10];
	v4 =	vadd.f32 v6, v5  }
0x1be: {  	v5 =	vld [tilespmem:s24+$0xFFFFFF90]  }
0x1bf: {  	[tilespmem:s28+$0xFFFFCDE0] =	vst v4;
	v4 =	vld [tilespmem:s28+$0xFFFFCDF0]  }
0x1c0: {  	v2 =	vadd.f32 v3, v2;
	v3 =	vld [tilespmem:s24+$0x60]  }
0x1c1: {  	v6 =	vld [tilespmem:s28+$0xFFFFCD30]  }
0x1c2: {  	[tilespmem:s28+$0xFFFFCD60] =	vst v2;
	v2 =	vld [tilespmem:s28+$0xFFFFCD70];
	v0 =	vadd.f32 v0, v1  }
0x1c3: {  	v1 =	vadd.f32 v5, v7;
	v5 =	vld [tilespmem:s24+$0xFFFFFFE0]  }
0x1c4: {  	[tilespmem:s28+$0xFFFFCDA0] =	vst v0;
	v0 =	vld [tilespmem:s28+$0xFFFFCDB0]  }
0x1c5: {  	[tilespmem:s28+$0xFFFFCD20] =	vst v1;
	v1 =	vld [tilespmem:s24+$0x20];
	v3 =	vadd.f32 v3, v4  }
0x1c6: {  	v4 =	vld [tilespmem:s24+$0xFFFFFFA0]  }
0x1c7: {  	[tilespmem:s28+$0xFFFFCDF0] =	vst v3;
	v3 =	vld [tilespmem:s28+$0xFFFFCE00]  }
0x1c8: {  	v2 =	vadd.f32 v5, v2;
	v5 =	vld [tilespmem:s24+$0x70]  }
0x1c9: {  	v7 =	vld [tilespmem:s28+$0xFFFFCD40]  }
0x1ca: {  	[tilespmem:s28+$0xFFFFCD70] =	vst v2;
	v2 =	vld [tilespmem:s28+$0xFFFFCD80];
	v0 =	vadd.f32 v1, v0  }
0x1cb: {  	v1 =	vadd.f32 v4, v6;
	v4 =	vld [tilespmem:s24+$0xFFFFFFF0]  }
0x1cc: {  	[tilespmem:s28+$0xFFFFCDB0] =	vst v0;
	v0 =	vld [tilespmem:s28+$0xFFFFCDC0]  }
0x1cd: {  	[tilespmem:s28+$0xFFFFCD30] =	vst v1;
	v1 =	vld [tilespmem:s24+$0x30];
	v3 =	vadd.f32 v5, v3  }
0x1ce: {  	v5 =	vld [tilespmem:s24+$0xFFFFFFB0]  }
0x1cf: {  	[tilespmem:s28+$0xFFFFCE00] =	vst v3;
	v3 =	vld [tilespmem:s28+$0xFFFFFFD0]  }
0x1d0: {  	v2 =	vadd.f32 v4, v2;
	v4 =	vld [tilespmem:s24+$0x40]  }
0x1d1: {  	v6 =	vld [tilespmem:s28+$0xFFFFFF10]  }
0x1d2: {  	[tilespmem:s28+$0xFFFFCD80] =	vst v2;
	v2 =	vld [tilespmem:s28+$0xFFFFFF50];
	v0 =	vadd.f32 v1, v0  }
0x1d3: {  	v1 =	vadd.f32 v5, v7;
	v5 =	vld [tilespmem:s24+$0xFFFFFFC0]  }
0x1d4: {  	[tilespmem:s28+$0xFFFFCDC0] =	vst v0;
	v0 =	vld [tilespmem:s28+$0xFFFFFF90]  }
0x1d5: {  	[tilespmem:s28+$0xFFFFCD40] =	vst v1;
	v1 =	vld [tilespmem:s24+$0x0];
	v3 =	vadd.f32 v4, v3  }
0x1d6: {  	v4 =	vld [tilespmem:s24+$0xFFFFFF80]  }
0x1d7: {  	[tilespmem:s28+$0xFFFFFFD0] =	vst v3;
	v3 =	vld [tilespmem:s28+$0xFFFFFFE0]  }
0x1d8: {  	v2 =	vadd.f32 v5, v2;
	v5 =	vld [tilespmem:s24+$0x50]  }
0x1d9: {  	v7 =	vld [tilespmem:s28+$0xFFFFFF20]  }
0x1da: {  	[tilespmem:s28+$0xFFFFFF50] =	vst v2;
	v2 =	vld [tilespmem:s28+$0xFFFFFF60];
	v0 =	vadd.f32 v1, v0  }
0x1db: {  	v1 =	vadd.f32 v4, v6;
	v4 =	vld [tilespmem:s24+$0xFFFFFFD0]  }
0x1dc: {  	[tilespmem:s28+$0xFFFFFF90] =	vst v0;
	v0 =	vld [tilespmem:s28+$0xFFFFFFA0]  }
0x1dd: {  	[tilespmem:s28+$0xFFFFFF10] =	vst v1;
	v1 =	vld [tilespmem:s24+$0x10];
	v3 =	vadd.f32 v5, v3  }
0x1de: {  	v5 =	vld [tilespmem:s24+$0xFFFFFF90]  }
0x1df: {  	[tilespmem:s28+$0xFFFFFFE0] =	vst v3;
	v3 =	vld [tilespmem:s28+$0xFFFFFFF0]  }
0x1e0: {  	v2 =	vadd.f32 v4, v2;
	v4 =	vld [tilespmem:s24+$0x60]  }
0x1e1: {  	v6 =	vld [tilespmem:s28+$0xFFFFFF30]  }
0x1e2: {  	[tilespmem:s28+$0xFFFFFF60] =	vst v2;
	v2 =	vld [tilespmem:s28+$0xFFFFFF70];
	v0 =	vadd.f32 v1, v0  }
0x1e3: {  	v1 =	vadd.f32 v5, v7;
	v5 =	vld [tilespmem:s24+$0xFFFFFFE0]  }
0x1e4: {  	[tilespmem:s28+$0xFFFFFFA0] =	vst v0;
	v7 =	vld [tilespmem:s28+$0xFFFFFFB0]  }
0x1e5: {  	[tilespmem:s28+$0xFFFFFF20] =	vst v1;
	v8 =	vld [tilespmem:s24+$0x20];
	v0 =	vadd.f32 v4, v3  }
0x1e6: {  	v3 =	vld [tilespmem:s24+$0xFFFFFFA0]  }
0x1e7: {  	[tilespmem:s28+$0xFFFFFFF0] =	vst v0;
	v9 =	vld [tilespmem:s28+$0x0]  }
0x1e8: {  	v1 =	vadd.f32 v5, v2;
	v5 =	vld [tilespmem:s24+$0x70]  }
0x1e9: {  	v0 =	vld [tilespmem:s28+$0xFFFFFF40]  }
.Ltmp2:
0x1ea: {  	[tilespmem:s28+$0xFFFFFF70] =	vst v1;
	v1 =	vld [tilespmem:s28+$0xFFFFFF80];
	v2 =	vadd.f32 v8, v7;
	(pc) =	sbr.rel @p0 .LBB2_7-.Ltmp2, $4  }
0x1eb: {  	v4 =	vadd.f32 v3, v6;
	v3 =	vld [tilespmem:s24+$0xFFFFFFF0]  }
0x1ec: {  	[tilespmem:s28+$0xFFFFFFB0] =	vst v2;
	v2 =	vld [tilespmem:s28+$0xFFFFFFC0]  }
0x1ed: {  	[tilespmem:s28+$0xFFFFFF30] =	vst v4;
	v4 =	vld [tilespmem:s24+$0x30];
	v6 =	vadd.f32 v5, v9  }
0x1ee: {  	s28 =	sadd.s32 $0x100, s28;
	v5 =	vld [tilespmem:s24+$0xFFFFFFB0]  }
0x1ef: {  	_ =	sdelay $0x1  }
0x1f0: {  	v1 =	vadd.f32 v3, v1  }
0x1f1: {  	[tilespmem:s23+$0x0] =	vst v6;
	s24 =	sadd.s32 s21, s10;
	v2 =	vadd.f32 v4, v2  }
0x1f2: {  	s24 =	sshll.u32 s24, $0x3;
	[tilespmem:s23+$0xFFFFFF80] =	vst v1;
	v0 =	vadd.f32 v5, v0  }
0x1f3: {  	s24 =	sand.u32 $0x1FFFFF00, s24;
	[tilespmem:s23+$0xFFFFFFC0] =	vst v2  }
0x1f4: {  	s26 =	sadd.s32 s1, s24;
	[tilespmem:s23+$0xFFFFFF40] =	vst v0  }
0x1f5: {  	[hbm4b:s26+s3] =	stream.linear.scatter [tilespmem:s13], [sflag:$0x8], $0x6400, $0x38;
	[tilespmem:$0x1C880] =	vst v63  }
0x1f6: {  	_ =	swait.ge [sflag:s7], $0x1900  }
0x1f7: {  	[sflag:s7] =	ssyncset.done $0x0  }
0x1f8: {  	[sflag:s7] =	ssyncadd.s32 $0xFFFFE700  }
0x1f9: {  	_ =	swait.ge [sflag:s7], $0x1900  }
0x1fa: {  	[sflag:s7] =	ssyncset.done $0x0  }
0x1fb: {  	[sflag:s7] =	ssyncadd.s32 $0xFFFFE700  }
0x1fc: {  	_ =	swait.ge [sflag:s7], $0x1900  }
0x1fd: {  	[sflag:s7] =	ssyncset.done $0x0  }
0x1fe: {  	[sflag:s7] =	ssyncadd.s32 $0xFFFFE700  }
0x1ff: {  	_ =	swait.ge [sflag:s7], $0x1900  }
0x200: {  	[sflag:s7] =	ssyncset.done $0x0  }
0x201: {  	s23 =	simm.s32 $0x19770;
	[sflag:s7] =	ssyncadd.s32 $0xFFFFE700  }
0x202: {  	s24 =	simm.s32 $0x700;
	v0 =	vld [tilespmem:s23+$0xFFFFCDD0]  }
0x203: {  	v1 =	vld [tilespmem:s24+$0x40]  }
0x204: {  	v2 =	vld [tilespmem:s23+$0xFFFFCD50]  }
0x205: {  	v3 =	vld [tilespmem:s24+$0xFFFFFFC0]  }
0x206: {  	v4 =	vld [tilespmem:s23+$0xFFFFCD90]  }
0x207: {  	v5 =	vld [tilespmem:s24+$0x0]  }
0x208: {  	v6 =	vld [tilespmem:s23+$0xFFFFCD10];
	v0 =	vadd.f32 v1, v0  }
0x209: {  	v1 =	vld [tilespmem:s24+$0xFFFFFF80]  }
0x20a: {  	[tilespmem:s23+$0xFFFFCDD0] =	vst v0;
	v0 =	vld [tilespmem:s23+$0xFFFFCDE0]  }
0x20b: {  	v2 =	vadd.f32 v3, v2;
	v3 =	vld [tilespmem:s24+$0x50]  }
0x20c: {  	v7 =	vld [tilespmem:s23+$0xFFFFCD20]  }
0x20d: {  	[tilespmem:s23+$0xFFFFCD50] =	vst v2;
	v2 =	vadd.f32 v5, v4;
	v4 =	vld [tilespmem:s23+$0xFFFFCD60]  }
0x20e: {  	v5 =	vld [tilespmem:s24+$0xFFFFFFD0];
	v1 =	vadd.f32 v1, v6  }
0x20f: {  	[tilespmem:s23+$0xFFFFCD90] =	vst v2;
	v2 =	vld [tilespmem:s23+$0xFFFFCDA0]  }
0x210: {  	v6 =	vld [tilespmem:s24+$0x10];
	[tilespmem:s23+$0xFFFFCD10] =	vst v1;
	v0 =	vadd.f32 v3, v0  }
0x211: {  	v1 =	vld [tilespmem:s24+$0xFFFFFF90]  }
0x212: {  	[tilespmem:s23+$0xFFFFCDE0] =	vst v0;
	v0 =	vld [tilespmem:s23+$0xFFFFCDF0]  }
0x213: {  	v3 =	vadd.f32 v5, v4;
	v4 =	vld [tilespmem:s24+$0x60]  }
0x214: {  	v5 =	vld [tilespmem:s23+$0xFFFFCD30]  }
0x215: {  	[tilespmem:s23+$0xFFFFCD60] =	vst v3;
	v2 =	vadd.f32 v6, v2;
	v3 =	vld [tilespmem:s23+$0xFFFFCD70]  }
0x216: {  	v6 =	vld [tilespmem:s24+$0xFFFFFFE0];
	v1 =	vadd.f32 v1, v7  }
0x217: {  	[tilespmem:s23+$0xFFFFCDA0] =	vst v2;
	v2 =	vld [tilespmem:s23+$0xFFFFCDB0]  }
0x218: {  	v7 =	vld [tilespmem:s24+$0x20];
	[tilespmem:s23+$0xFFFFCD20] =	vst v1;
	v0 =	vadd.f32 v4, v0  }
0x219: {  	v1 =	vld [tilespmem:s24+$0xFFFFFFA0]  }
0x21a: {  	[tilespmem:s23+$0xFFFFCDF0] =	vst v0;
	v0 =	vld [tilespmem:s23+$0xFFFFCE00]  }
0x21b: {  	v3 =	vadd.f32 v6, v3;
	v4 =	vld [tilespmem:s24+$0x70]  }
0x21c: {  	v6 =	vld [tilespmem:s23+$0xFFFFCD40]  }
0x21d: {  	[tilespmem:s23+$0xFFFFCD70] =	vst v3;
	v2 =	vadd.f32 v7, v2;
	v3 =	vld [tilespmem:s23+$0xFFFFCD80]  }
0x21e: {  	v7 =	vld [tilespmem:s24+$0xFFFFFFF0];
	v1 =	vadd.f32 v1, v5  }
0x21f: {  	[tilespmem:s23+$0xFFFFCDB0] =	vst v2;
	v2 =	vld [tilespmem:s23+$0xFFFFCDC0]  }
0x220: {  	v5 =	vld [tilespmem:s24+$0x30];
	[tilespmem:s23+$0xFFFFCD30] =	vst v1;
	v0 =	vadd.f32 v4, v0  }
0x221: {  	v1 =	vld [tilespmem:s24+$0xFFFFFFB0]  }
0x222: {  	[tilespmem:s23+$0xFFFFCE00] =	vst v0;
	v0 =	vld [tilespmem:s23+$0xFFFFFFD0]  }
0x223: {  	v3 =	vadd.f32 v7, v3;
	v4 =	vld [tilespmem:s24+$0x40]  }
0x224: {  	v7 =	vld [tilespmem:s23+$0xFFFFFF10]  }
0x225: {  	[tilespmem:s23+$0xFFFFCD80] =	vst v3;
	v2 =	vadd.f32 v5, v2;
	v3 =	vld [tilespmem:s23+$0xFFFFFF50]  }
0x226: {  	v5 =	vld [tilespmem:s24+$0xFFFFFFC0];
	v1 =	vadd.f32 v1, v6  }
0x227: {  	[tilespmem:s23+$0xFFFFCDC0] =	vst v2;
	v2 =	vld [tilespmem:s23+$0xFFFFFF90]  }
0x228: {  	v6 =	vld [tilespmem:s24+$0x0];
	[tilespmem:s23+$0xFFFFCD40] =	vst v1;
	v0 =	vadd.f32 v4, v0  }
0x229: {  	v1 =	vld [tilespmem:s24+$0xFFFFFF80]  }
0x22a: {  	[tilespmem:s23+$0xFFFFFFD0] =	vst v0;
	v0 =	vld [tilespmem:s23+$0xFFFFFFE0]  }
0x22b: {  	v3 =	vadd.f32 v5, v3;
	v4 =	vld [tilespmem:s24+$0x50]  }
0x22c: {  	v5 =	vld [tilespmem:s23+$0xFFFFFF20]  }
0x22d: {  	[tilespmem:s23+$0xFFFFFF50] =	vst v3;
	v2 =	vadd.f32 v6, v2;
	v3 =	vld [tilespmem:s23+$0xFFFFFF60]  }
0x22e: {  	v6 =	vld [tilespmem:s24+$0xFFFFFFD0];
	v1 =	vadd.f32 v1, v7  }
0x22f: {  	[tilespmem:s23+$0xFFFFFF90] =	vst v2;
	v2 =	vld [tilespmem:s23+$0xFFFFFFA0]  }
0x230: {  	v7 =	vld [tilespmem:s24+$0x10];
	[tilespmem:s23+$0xFFFFFF10] =	vst v1;
	v0 =	vadd.f32 v4, v0  }
0x231: {  	v1 =	vld [tilespmem:s24+$0xFFFFFF90]  }
0x232: {  	[tilespmem:s23+$0xFFFFFFE0] =	vst v0;
	v0 =	vld [tilespmem:s23+$0xFFFFFFF0]  }
0x233: {  	v3 =	vadd.f32 v6, v3;
	v4 =	vld [tilespmem:s24+$0x60]  }
0x234: {  	v6 =	vld [tilespmem:s23+$0xFFFFFF30]  }
0x235: {  	[tilespmem:s23+$0xFFFFFF60] =	vst v3;
	v2 =	vadd.f32 v7, v2;
	v3 =	vld [tilespmem:s23+$0xFFFFFF70]  }
0x236: {  	v7 =	vld [tilespmem:s24+$0xFFFFFFE0];
	v1 =	vadd.f32 v1, v5  }
0x237: {  	[tilespmem:s23+$0xFFFFFFA0] =	vst v2;
	v2 =	vld [tilespmem:s23+$0xFFFFFFB0]  }
0x238: {  	v5 =	vld [tilespmem:s24+$0x20];
	[tilespmem:s23+$0xFFFFFF20] =	vst v1;
	v0 =	vadd.f32 v4, v0  }
0x239: {  	v4 =	vld [tilespmem:s24+$0xFFFFFFA0]  }
0x23a: {  	v8 =	vld [tilespmem:s23+$0x0];
	[tilespmem:s23+$0xFFFFFFF0] =	vst v0  }
0x23b: {  	v1 =	vadd.f32 v7, v3;
	v7 =	vld [tilespmem:s24+$0x70]  }
0x23c: {  	v0 =	vld [tilespmem:s23+$0xFFFFFF40]  }
0x23d: {  	[tilespmem:s23+$0xFFFFFF70] =	vst v1;
	v2 =	vadd.f32 v5, v2;
	v1 =	vld [tilespmem:s23+$0xFFFFFF80]  }
0x23e: {  	v3 =	vld [tilespmem:s24+$0xFFFFFFF0];
	v4 =	vadd.f32 v4, v6  }
0x23f: {  	[tilespmem:s23+$0xFFFFFFB0] =	vst v2;
	v2 =	vld [tilespmem:s23+$0xFFFFFFC0]  }
0x240: {  	[tilespmem:s23+$0xFFFFFF30] =	vst v4;
	v4 =	vld [tilespmem:s24+$0x30];
	v6 =	vadd.f32 v7, v8  }
0x241: {  	s28 =	simm.s32 $0x19870;
	s26 =	simm.s32 $0x0;
	v5 =	vld [tilespmem:s24+$0xFFFFFFB0]  }
.LBB2_9:
0x242: {  	v7 =	vld [tilespmem:s28+$0xFFFFCDD0];
	[tilespmem:s23+$0x0] =	vst v6;
	s24 =	sadd.s32 $0x100, s24  }
0x243: {  	s26 =	sadd.s32 $0x4, s26;
	v6 =	vld [tilespmem:s24+$0x40];
	v1 =	vadd.f32 v3, v1  }
0x244: {  	p0 =	slt.u32 s26, $0xC4;
	v3 =	vld [tilespmem:s24+$0xFFFFFF80]  }
0x245: {  	v8 =	vld [tilespmem:s28+$0xFFFFCD50];
	[tilespmem:s23+$0xFFFFFF80] =	vst v1;
	v1 =	vadd.f32 v4, v2  }
0x246: {  	v2 =	vld [tilespmem:s24+$0xFFFFFFC0];
	v0 =	vadd.f32 v5, v0  }
0x247: {  	v4 =	vld [tilespmem:s28+$0xFFFFCD90];
	[tilespmem:s23+$0xFFFFFFC0] =	vst v1  }
0x248: {  	v1 =	vld [tilespmem:s24+$0x0];
	v5 =	vadd.f32 v6, v7;
	[tilespmem:s23+$0xFFFFFF40] =	vst v0;
	s23 =	smov.u32 s28  }
0x249: {  	v0 =	vld [tilespmem:s28+$0xFFFFCD10]  }
0x24a: {  	[tilespmem:s28+$0xFFFFCDD0] =	vst v5;
	v5 =	vld [tilespmem:s28+$0xFFFFCDE0]  }
0x24b: {  	v2 =	vadd.f32 v2, v8;
	v6 =	vld [tilespmem:s24+$0x50]  }
0x24c: {  	v7 =	vld [tilespmem:s28+$0xFFFFCD20]  }
0x24d: {  	[tilespmem:s28+$0xFFFFCD50] =	vst v2;
	v2 =	vld [tilespmem:s28+$0xFFFFCD60];
	v1 =	vadd.f32 v1, v4  }
0x24e: {  	v0 =	vadd.f32 v3, v0;
	v3 =	vld [tilespmem:s24+$0xFFFFFFD0]  }
0x24f: {  	[tilespmem:s28+$0xFFFFCD90] =	vst v1;
	v1 =	vld [tilespmem:s28+$0xFFFFCDA0]  }
0x250: {  	[tilespmem:s28+$0xFFFFCD10] =	vst v0;
	v0 =	vld [tilespmem:s24+$0x10];
	v4 =	vadd.f32 v6, v5  }
0x251: {  	v5 =	vld [tilespmem:s24+$0xFFFFFF90]  }
0x252: {  	[tilespmem:s28+$0xFFFFCDE0] =	vst v4;
	v4 =	vld [tilespmem:s28+$0xFFFFCDF0]  }
0x253: {  	v2 =	vadd.f32 v3, v2;
	v3 =	vld [tilespmem:s24+$0x60]  }
0x254: {  	v6 =	vld [tilespmem:s28+$0xFFFFCD30]  }
0x255: {  	[tilespmem:s28+$0xFFFFCD60] =	vst v2;
	v2 =	vld [tilespmem:s28+$0xFFFFCD70];
	v0 =	vadd.f32 v0, v1  }
0x256: {  	v1 =	vadd.f32 v5, v7;
	v5 =	vld [tilespmem:s24+$0xFFFFFFE0]  }
0x257: {  	[tilespmem:s28+$0xFFFFCDA0] =	vst v0;
	v0 =	vld [tilespmem:s28+$0xFFFFCDB0]  }
0x258: {  	[tilespmem:s28+$0xFFFFCD20] =	vst v1;
	v1 =	vld [tilespmem:s24+$0x20];
	v3 =	vadd.f32 v3, v4  }
0x259: {  	v4 =	vld [tilespmem:s24+$0xFFFFFFA0]  }
0x25a: {  	[tilespmem:s28+$0xFFFFCDF0] =	vst v3;
	v3 =	vld [tilespmem:s28+$0xFFFFCE00]  }
0x25b: {  	v2 =	vadd.f32 v5, v2;
	v5 =	vld [tilespmem:s24+$0x70]  }
0x25c: {  	v7 =	vld [tilespmem:s28+$0xFFFFCD40]  }
0x25d: {  	[tilespmem:s28+$0xFFFFCD70] =	vst v2;
	v2 =	vld [tilespmem:s28+$0xFFFFCD80];
	v0 =	vadd.f32 v1, v0  }
0x25e: {  	v1 =	vadd.f32 v4, v6;
	v4 =	vld [tilespmem:s24+$0xFFFFFFF0]  }
0x25f: {  	[tilespmem:s28+$0xFFFFCDB0] =	vst v0;
	v0 =	vld [tilespmem:s28+$0xFFFFCDC0]  }
0x260: {  	[tilespmem:s28+$0xFFFFCD30] =	vst v1;
	v1 =	vld [tilespmem:s24+$0x30];
	v3 =	vadd.f32 v5, v3  }
0x261: {  	v5 =	vld [tilespmem:s24+$0xFFFFFFB0]  }
0x262: {  	[tilespmem:s28+$0xFFFFCE00] =	vst v3;
	v3 =	vld [tilespmem:s28+$0xFFFFFFD0]  }
0x263: {  	v2 =	vadd.f32 v4, v2;
	v4 =	vld [tilespmem:s24+$0x40]  }
0x264: {  	v6 =	vld [tilespmem:s28+$0xFFFFFF10]  }
0x265: {  	[tilespmem:s28+$0xFFFFCD80] =	vst v2;
	v2 =	vld [tilespmem:s28+$0xFFFFFF50];
	v0 =	vadd.f32 v1, v0  }
0x266: {  	v1 =	vadd.f32 v5, v7;
	v5 =	vld [tilespmem:s24+$0xFFFFFFC0]  }
0x267: {  	[tilespmem:s28+$0xFFFFCDC0] =	vst v0;
	v0 =	vld [tilespmem:s28+$0xFFFFFF90]  }
0x268: {  	[tilespmem:s28+$0xFFFFCD40] =	vst v1;
	v1 =	vld [tilespmem:s24+$0x0];
	v3 =	vadd.f32 v4, v3  }
0x269: {  	v4 =	vld [tilespmem:s24+$0xFFFFFF80]  }
0x26a: {  	[tilespmem:s28+$0xFFFFFFD0] =	vst v3;
	v3 =	vld [tilespmem:s28+$0xFFFFFFE0]  }
0x26b: {  	v2 =	vadd.f32 v5, v2;
	v5 =	vld [tilespmem:s24+$0x50]  }
0x26c: {  	v7 =	vld [tilespmem:s28+$0xFFFFFF20]  }
0x26d: {  	[tilespmem:s28+$0xFFFFFF50] =	vst v2;
	v2 =	vld [tilespmem:s28+$0xFFFFFF60];
	v0 =	vadd.f32 v1, v0  }
0x26e: {  	v1 =	vadd.f32 v4, v6;
	v4 =	vld [tilespmem:s24+$0xFFFFFFD0]  }
0x26f: {  	[tilespmem:s28+$0xFFFFFF90] =	vst v0;
	v0 =	vld [tilespmem:s28+$0xFFFFFFA0]  }
0x270: {  	[tilespmem:s28+$0xFFFFFF10] =	vst v1;
	v1 =	vld [tilespmem:s24+$0x10];
	v3 =	vadd.f32 v5, v3  }
0x271: {  	v5 =	vld [tilespmem:s24+$0xFFFFFF90]  }
0x272: {  	[tilespmem:s28+$0xFFFFFFE0] =	vst v3;
	v3 =	vld [tilespmem:s28+$0xFFFFFFF0]  }
0x273: {  	v2 =	vadd.f32 v4, v2;
	v4 =	vld [tilespmem:s24+$0x60]  }
0x274: {  	v6 =	vld [tilespmem:s28+$0xFFFFFF30]  }
0x275: {  	[tilespmem:s28+$0xFFFFFF60] =	vst v2;
	v2 =	vld [tilespmem:s28+$0xFFFFFF70];
	v0 =	vadd.f32 v1, v0  }
0x276: {  	v1 =	vadd.f32 v5, v7;
	v5 =	vld [tilespmem:s24+$0xFFFFFFE0]  }
0x277: {  	[tilespmem:s28+$0xFFFFFFA0] =	vst v0;
	v7 =	vld [tilespmem:s28+$0xFFFFFFB0]  }
0x278: {  	[tilespmem:s28+$0xFFFFFF20] =	vst v1;
	v8 =	vld [tilespmem:s24+$0x20];
	v0 =	vadd.f32 v4, v3  }
0x279: {  	v3 =	vld [tilespmem:s24+$0xFFFFFFA0]  }
0x27a: {  	[tilespmem:s28+$0xFFFFFFF0] =	vst v0;
	v9 =	vld [tilespmem:s28+$0x0]  }
0x27b: {  	v1 =	vadd.f32 v5, v2;
	v5 =	vld [tilespmem:s24+$0x70]  }
0x27c: {  	v0 =	vld [tilespmem:s28+$0xFFFFFF40]  }
.Ltmp3:
0x27d: {  	[tilespmem:s28+$0xFFFFFF70] =	vst v1;
	v1 =	vld [tilespmem:s28+$0xFFFFFF80];
	v2 =	vadd.f32 v8, v7;
	(pc) =	sbr.rel @p0 .LBB2_9-.Ltmp3, $4  }
0x27e: {  	v4 =	vadd.f32 v3, v6;
	v3 =	vld [tilespmem:s24+$0xFFFFFFF0]  }
0x27f: {  	[tilespmem:s28+$0xFFFFFFB0] =	vst v2;
	v2 =	vld [tilespmem:s28+$0xFFFFFFC0]  }
0x280: {  	[tilespmem:s28+$0xFFFFFF30] =	vst v4;
	v4 =	vld [tilespmem:s24+$0x30];
	v6 =	vadd.f32 v5, v9  }
0x281: {  	s28 =	sadd.s32 $0x100, s28;
	v5 =	vld [tilespmem:s24+$0xFFFFFFB0]  }
0x282: {  	_ =	sdelay $0x1  }
0x283: {  	v1 =	vadd.f32 v3, v1  }
0x284: {  	[tilespmem:s23+$0x0] =	vst v6;
	s21 =	sadd.s32 s21, s11;
	v2 =	vadd.f32 v4, v2  }
0x285: {  	s21 =	sshll.u32 s21, $0x3;
	[tilespmem:s23+$0xFFFFFF80] =	vst v1;
	v0 =	vadd.f32 v5, v0  }
0x286: {  	s21 =	sand.u32 $0x1FFFFF80, s21;
	[tilespmem:s23+$0xFFFFFFC0] =	vst v2  }
0x287: {  	s21 =	sadd.s32 s1, s21;
	[tilespmem:s23+$0xFFFFFF40] =	vst v0  }
0x288: {  	[hbm4b:s21+s3] =	stream.linear.scatter [tilespmem:s22], [sflag:$0x9], $0x6400, $0x38;
	[tilespmem:$0x1C880] =	vst v63  }
0x289: {  	_ =	swait.ge [sflag:s12], $0x6400  }
0x28a: {  	[sflag:s12] =	ssyncset.done $0x0  }
0x28b: {  	[sflag:s12] =	ssyncadd.s32 $0xFFFF9C00  }
0x28c: {  	_ =	swait.ge [sflag:s14], $0x6400  }
0x28d: {  	[sflag:s14] =	ssyncset.done $0x0  }
0x28e: {  	s20 =	sadd.s32 $0x1, s20;
	[sflag:s14] =	ssyncadd.s32 $0xFFFF9C00  }
0x28f: {  	p0 =	sne.s32 s20, $0x10;
	_ =	swait.ge [sflag:s18], $0x6400  }
.Ltmp4:
0x290: {  	[sflag:s18] =	ssyncset.done $0x0;
	(pc) =	sbr.rel @p0 .LBB2_2-.Ltmp4, $4  }
0x291: {  	[sflag:s18] =	ssyncadd.s32 $0xFFFF9C00  }
0x292: {  	_ =	swait.ge [sflag:s19], $0x6400  }
0x293: {  	[sflag:s19] =	ssyncset.done $0x0  }
0x294: {  	[sflag:s19] =	ssyncadd.s32 $0xFFFF9C00  }
0x295: {  	s21 =	rddreg [dreg:$0x5]  }
0x296: {  	s20 =	rddreg [dreg:$0x4];
	s21 =	sadd.s32 $0x1, s21  }
0x297: {  	p0 =	sne.s32 s21, s20  }
.Ltmp5:
0x298: {  	_ = 	snop;
	(pc) =	sbr.rel @p0 .LBB2_1-.Ltmp5, $1  }
0x299: {  	_ =	sdelay $0x3  }
0x29a: {  	_ =	sfence.sel $0x180000  }
0x29b: {  	[bflag:$0x0] =	sbarrier.arrive $0xFFFF  }
0x29c: {  	_ =	strace $0x90000047  }
0x29d: {  	s0 =	stileid.u32;
	[bflag:$0x2] =	sbarrier.arrive $0xFFFF  }
0x29e: {  	p0 =	sne.s32 s0, $0x0;
	s0 =	rddreg [dreg:$0x2]  }
0x29f: {  	s0 =	sadd.s32 @!p0 $0x100000, s0  }
0x2a0: {  	[sflag:s0] =	ssyncadd.tile.s32 @!p0 $0x1;
	_ =	shalt  }
.Lfunc_end2:
_tile_overlayer_lowered:
.L_overlay_start_2:
0x2a1: {  	(tag) =	ssettag $0x2  }
0x2a2: {  	s0 =	rddreg [dreg:$0x0];
	s2 =	stileid.u32  }
0x2a3: {  	s1 =	rddreg [dreg:$0x1];
	p0 =	sne.s32 s2, $0x0  }
0x2a4: {  	s3 =	rddreg [dreg:$0x2];
	[bflag:$0x3] =	sbarrier.arrive $0xFFFF;
	s2 =	simm.s32 @!p0 $0x1C0A  }
0x2a5: {  	[timem:s3], [sflag:s2] =	dma.local @!p0 [hbm:s0], s1  }
0x2a6: {  	s0 =	simm.s32 @!p0 $0xA  }
0x2a7: {  	_ =	swait.ge @!p0 [sflag:s0], s1  }
0x2a8: {  	s1 =	ssub.s32 @!p0 $0x0, s1;
	[sflag:s0] =	ssyncset.done @!p0 $0x0  }
0x2a9: {  	[sflag:s0] =	ssyncadd.s32 @!p0 s1  }
0x2aa: {  	[bflag:$0x3] =	sbarrier.arrive $0xFFFF  }
0x2ab: {  	_ =	shalt  }

// kernel: sparse-core-data-format-call.cloned.1.call-start
scs
called_computation_lowered:
.L_overlay_start_0:
0x0: {  	s2 =	sld [smem:$0x3FD9]  }
0x1: {  	s3 =	sld [smem:$0x3FFE];
	_ =	sdelay $0x1  }
0x2: {  	s1 =	srdreg.scid  }
0x3: {  	s0 =	sand.u32 $0x1, s1  }
0x4: {  	s18 =	sshll.u32 s0, $0xA;
	s2 =	sadd.s32 s3, s2  }
0x5: {  	s2 =	sadd.s32 s2, s18  }
0x6: {  	[smem:$0x3FC5] =	sst s2  }
0x7: {  	_ = 	snop  }
0x8: {  	s2 =	sld [smem:$0x3FD0];
	(tm) =	ssettm $0x1  }
0x9: {  	s19 =	sld [smem:$0x3FFB];
	_ =	sdelay $0x3  }
0xa: {  	_ =	strace s19  }
0xb: {  	s3 =	sld [smem:$0x3FFC];
	_ =	sdelay $0x3  }
0xc: {  	_ =	strace s3  }
0xd: {  	s3 =	sld [smem:$0x3FFD];
	_ =	sdelay $0x3  }
0xe: {  	_ =	strace s3  }
0xf: {  	_ =	strace $0x8FFFFFFF  }
0x10: {  	s20 =	sld [smem:$0x3FDB];
	_ =	sdelay $0x1  }
0x11: {  	s4 =	simm.s32 $_scs_section_size  }
0x12: {  	s5 =	simm.s32 $_size__tile_overlayer_lowered;
	s6 =	simm.s32 $_tile_overlayer_lowered  }
0x13: {  	s23 =	simm.s32 $0x1BFF;
	s22 =	sshll.u32 s6, $0x1;
	s3 =	sadd.s32 s4, s20  }
0x14: {  	s7 =	simm.s32 $0x0;
	s21 =	sshll.u32 s5, $0x1;
	s5 =	sadd.s32 s22, s3  }
0x15: {  	[timem:s7], [sflag:s23] =	dma.local [hbm:s5], s21  }
0x16: {  	_ =	swait.ge [sflag:s23], s21  }
0x17: {  	s4 =	ssub.s32 $0x0, s21;
	[sflag:s23] =	ssyncset.done $0x0  }
0x18: {  	[sflag:s23] =	ssyncadd.s32 s4;
	_ =	sdelay $0x1  }
0x19: {  	s24 =	simm.s32 $0x1B8B  }
0x1a: {  	_ =	swait.ge [sflag:s24], $0x1  }
0x1b: {  	[sflag:s24] =	ssyncset.done $0x0  }
0x1c: {  	s26 =	simm.s32 $0x1B8E;
	s25 =	sld [smem:$0x3FFE];
	[sflag:s24] =	ssyncadd.s32 $0xFFFFFFFF  }
0x1d: {  	s27 =	simm.s32 $execute0_lowered;
	[smem:$0x3FD2] =	sst s26  }
0x1e: {  	s5 =	sshll.u32 s27, $0x1;
	_ =	strace $0x80000049;
	[dreg:$0x1] =	wrdreg $0xFFFFFFFF  }
0x1f: {  	s28 =	simm.s32 $_size_execute0_lowered;
	s3 =	sadd.s32 s3, s5;
	[dreg:$0x0] =	wrdreg $0x0  }
0x20: {  	s5 =	sshll.u32 s28, $0x1;
	[dreg:$0x2] =	wrdreg s3  }
0x21: {  	[dreg:$0x3] =	wrdreg s5  }
0x22: {  	[dreg:$0x4] =	wrdreg $0xC0  }
0x23: {  	_ =	task [dreg:s7], $0x5FFFF  }
0x24: {  	[dreg:$0x1] =	wrdreg $0xFFFFFFFF  }
0x25: {  	[dreg:$0x0] =	wrdreg $0x60  }
0x26: {  	[dreg:$0x2] =	wrdreg s25  }
0x27: {  	[dreg:$0x3] =	wrdreg s2  }
0x28: {  	[dreg:$0x4] =	wrdreg $0x9  }
0x29: {  	_ =	task.clear_ibuf [dreg:s7], $0x5FFFF;
	_ =	strace $0x90000049  }
0x2a: {  	s29 =	simm.s32 $0x9;
	_ =	strace $0x8000004B  }
0x2b: {  	_ =	swait.ge [sflag:s29], $0x1  }
0x2c: {  	[sflag:s29] =	ssyncadd.s32 $0xFFFFFFFF  }
0x2d: {  	_ =	strace $0x9000004B  }
0x2e: {  	_ =	sfence  }
0x2f: {  	s30 =	sld [smem:$0x0];
	_ =	sdelay $0x2  }
0x30: {  	s31 =	sshll.u32 s1, $0xD;
	s1 =	sshrl.u32 s1, $0x2  }
0x31: {  	s3 =	sand.u32 $0x4000, s31;
	s1 =	sadd.s32 s1, s30  }
0x32: {  	s0 =	sor.u32 s3, s0;
	s1 =	sshll.u32 s1, $0x11  }
0x33: {  	s0 =	sor.u32 s1, s0  }
0x34: {  	s0 =	sadd.s32 $0x8F2B, s0  }
0x35: {  	[sflag:s0] =	ssyncadd.remote.s32 $0x1  }
0x36: {  	_ =	sfence.sel $0xFFFF  }
0x37: {  	[dreg:$0x0] =	wrdreg $0xFFFFFFFF;
	(pc) =	sbr.abs _section_cstart, $3  }
0x38: {  	[dreg:$0x1] =	wrdreg $0xFFFFFFFF  }
0x39: {  	_ =	task.clear_ibuf [dreg:s7], $0x2FFFF;
	_ =	strace $0x9FFFFFFF  }
0x3a: {  	(tm) =	ssettm $0x7FFFFFFF  }
0x3b: {  	_ =	shalt  }
tec
execute0_lowered:
.L_overlay_start_1:
0x0: {  	(tag) =	ssettag $0x1  }
0x1: {  	s0 =	srdreg.scid  }
0x2: {  	s1 =	sshll.u32 s0, $0x4  }
0x3: {  	s4 =	rddreg [dreg:$0x0];
	s0 =	stileid.u32;
	s1 =	sand.u32 $0x10, s1  }
0x4: {  	s2 =	rddreg [dreg:$0x1];
	s7 =	simm.s32 $0x1;
	s1 =	sor.u32 s0, s1  }
0x5: {  	s8 =	simm.s32 $0x2;
	s11 =	simm.s32 $0x0;
	s3 =	sshll.u32 s1, $0x7  }
0x6: {  	s10 =	simm.s32 $0x0;
	s4 =	sadd.s32 $0xC00, s4;
	s6 =	ssub.s32 $0xC8000, s3  }
.Ltmp0:
0x7: {  	s1 =	rddreg [dreg:$0x2];
	s5 =	sand.u32 $0xF80, s6;
	(pc) =	sbr.rel .LBB1_1-.Ltmp0, $4  }
0x8: {  	_ =	strace $0x8000004A;
	s9 =	smov.u32 s3;
	p0 =	sne.s32 s5, $0x0  }
0x9: {  	s6 =	sshrl.u32 s6, $0xC;
	s5 =	simm.s32 $0x1;
	s7 =	simm.s32 @!p0 $0x0  }
0xa: {  	[sflag:s5] =	ssyncpa.u1 $0x0;
	p0 =	por $0x0, $0x0;
	s6 =	sadd.s32 s7, s6  }
0xb: {  	[sflag:s8] =	ssyncpa.u1 $0x0;
	s8 =	simm.s32 $0x640000;
	s7 =	sadd.s32 $0x1, s6  }
.LBB1_4:
0xc: {  	s14 =	sshll.u32 s11, $0x3  }
0xd: {  	s30 =	sand.u32 $0x7F, s11;
	s15 =	sand.u32 $0xFFFFFC00, s14  }
0xe: {  	s11 =	sor.u32 s30, s15  }
0xf: {  	s15 =	smulhi.u32 $0x51EB851F, s11  }
0x10: {  	s14 =	smulhi.u32 $0x51EB851F, s14  }
0x11: {  	s15 =	sshrl.u32 s15, $0x12  }
0x12: {  	s14 =	sshrl.u32 s14, $0x12;
	s15 =	smul.u32 $0xC8000, s15  }
0x13: {  	s14 =	sand.u32 $0x3F, s14  }
0x14: {  	s14 =	smul.u32 $0x19000, s14;
	s11 =	ssub.s32 s11, s15  }
0x15: {  	[tilespmem:s13+$0x810 ss:$0x81] =	vst.msk $0xffff, v2;
	s15 =	sand.u32 $0x7, s11  }
0x16: {  	[tilespmem:s13+$0x1020 ss:$0x81] =	vst.msk $0xffff, v0;
	s14 =	sadd.s32 s2, s14;
	s11 =	sshrl.u32 s11, $0x3;
	s15 =	sshll.u32 s15, $0x12  }
0x17: {  	[tilespmem:s13+$0x0 ss:$0x81] =	vst.msk $0xffff, v1;
	s11 =	sadd.s32 s11, s14;
	s31 =	sor.u32 $0x400, s15  }
0x18: {  	[hbm4b:s11+s31] =	stream.strided.scatter [tilespmem:s12], [sflag:$0x2], $0x2000, s8, s31, $0x20;
	[tilespmem:$0x8080] =	vst v63  }
.LBB1_5:
0x19: {  	s13 =	sadd.s32 $0x1000, s9  }
0x1a: {  	p2 =	sgt.s32 s13, $0xC7FFF  }
0x1b: {  	s13 =	smov.u32 @p2 s3;
	p2 =	sne.s32 s10, s7  }
.Ltmp1:
0x1c: {  	p1 =	slt.u32 s10, $0x2;
	(pc) =	sbr.rel @!p2 .LBB1_6-.Ltmp1, $4  }
0x1d: {  	s12 =	simm.s32 @!p1 $0x2  }
0x1e: {  	s14 =	sadd.s32 $0x1, s10;
	_ =	swait.ge @!p1 [sflag:s12], $0x2000  }
0x1f: {  	s11 =	smov.u32 s9;
	p0 =	por !p0, !p0;
	[sflag:s12] =	ssyncset.done @!p1 $0x0  }
0x20: {  	s10 =	smov.u32 s14;
	s9 =	smov.u32 s13;
	[sflag:s12] =	ssyncadd.s32 @!p1 $0xFFFFE000  }
.LBB1_1:
0x21: {  	p1 =	sge.u32 s10, s6  }
0x22: {  	s12 =	sand.u32 @!p1 $0x1FFFFFF, s9  }
0x23: {  	s13 =	smulhi.u32 @!p1 $0x147AE15, s12;
	_ =	sdelay $0x1  }
0x24: {  	s13 =	sshrl.u32 @!p1 s13, $0xC  }
0x25: {  	s13 =	smul.u32 @!p1 $0xC8000, s13;
	_ =	sdelay $0x1  }
0x26: {  	s31 =	sadd.s32 $0xFFFFFFFF, s10;
	s14 =	sxor.u32 @!p1 $0xFFFFFFFF, s10;
	s12 =	ssub.s32 @!p1 s12, s13  }
0x27: {  	s15 =	simm.s32 @!p1 $0x80;
	s14 =	sshll.u32 @!p1 s14, $0xD;
	s12 =	sshll.u32 @!p1 s12, $0x4  }
0x28: {  	s13 =	sand.u32 @!p1 $0x2000, s14;
	s14 =	simm.s32 @!p1 $0x40;
	s12 =	sadd.s32 @!p1 s4, s12  }
0x29: {  	[tilespmem:s13], [sflag:$0x1] =	stream.strided.gather @!p1 [hbm4b:s12+s14], $0x2000, s15, s14, $0x38;
	[tilespmem:$0x8080] =	vst v63  }
0x2a: {  	p1 =	sge.u32 s31, s6  }
.Ltmp2:
0x2b: {  	_ = 	snop;
	(pc) =	sbr.rel @p1 .LBB1_5-.Ltmp2, $1  }
0x2c: {  	_ =	sdelay $0x3  }
0x2d: {  	s12 =	simm.s32 $0x1  }
0x2e: {  	_ =	swait.ge [sflag:s5], $0x2000;
	s12 =	simm.s32 @!p0 $0x0  }
0x2f: {  	[sflag:s5] =	ssyncset.done $0x0;
	s13 =	sshll.u32 s12, $0xD  }
0x30: {  	[sflag:s5] =	ssyncadd.s32 $0xFFFFE000;
	s16 =	sor.u32 $0x20, s13  }
0x31: {  	s12 =	smul.u32 $0x8100, s12;
	v3 =	vld [tilespmem:s16+$0x10]  }
0x32: {  	s30 =	sand.u32 $0x1, s10;
	v2 =	vld [tilespmem:s16+$0xFFFFFFF0]  }
0x33: {  	s13 =	smul.u32 $0x8100, s30;
	s12 =	sshrl.u32 s12, $0x2;
	v0 =	vld [tilespmem:s16+$0x0]  }
0x34: {  	v1 =	vld [tilespmem:s16+$0xFFFFFFE0];
	s14 =	sor.u32 $0x4000, s12  }
0x35: {  	s31 =	sshrl.u32 s13, $0x2;
	s13 =	sadd.s32 $0x0, s14  }
0x36: {  	s15 =	simm.s32 $0x4;
	s16 =	sadd.s32 $0x40, s16;
	s12 =	sor.u32 $0x4000, s31;
	[tilespmem:s13+$0x1830 ss:$0x81] =	vst.msk $0xffff, v3  }
.LBB1_3:
0x37: {  	v3 =	vld [tilespmem:s16+$0x10];
	p1 =	sne.s32 s15, $0x1FC;
	[tilespmem:s13+$0x810 ss:$0x81] =	vst.msk $0xffff, v2;
	s17 =	smov.u32 s15;
	s15 =	sadd.s32 $0x4, s15  }
.Ltmp3:
0x38: {  	v2 =	vld [tilespmem:s16+$0xFFFFFFF0];
	[tilespmem:s13+$0x1020 ss:$0x81] =	vst.msk $0xffff, v0;
	(pc) =	sbr.rel @p1 .LBB1_3-.Ltmp3, $4  }
0x39: {  	v0 =	vld [tilespmem:s16+$0x0];
	[tilespmem:s13+$0x0 ss:$0x81] =	vst.msk $0xffff, v1  }
0x3a: {  	s13 =	sshra.s32 s17, $0x2;
	v1 =	vld [tilespmem:s16+$0xFFFFFFE0]  }
0x3b: {  	s13 =	sadd.s32 s13, s14  }
0x3c: {  	s16 =	sadd.s32 $0x40, s16;
	[tilespmem:s13+$0x1830 ss:$0x81] =	vst.msk $0xffff, v3  }
.Ltmp4:
0x3d: {  	_ = 	snop;
	(pc) =	sbr.rel .LBB1_4-.Ltmp4, $1  }
0x3e: {  	_ =	sdelay $0x3  }
.LBB1_6:
0x3f: {  	_ =	sfence.sel $0x180000  }
0x40: {  	s2 =	simm.s32 $0x1;
	[bflag:$0x0] =	sbarrier.arrive $0xFFFF  }
0x41: {  	s31 =	simm.s32 $0x2;
	[sflag:s2] =	ssyncpa.u1 $0x1  }
0x42: {  	[sflag:s31] =	ssyncpa.u1 $0x1  }
0x43: {  	p0 =	sne.s32 s0, $0x0;
	_ =	strace $0x9000004A  }
0x44: {  	s0 =	sadd.s32 @!p0 $0x100000, s1;
	[bflag:$0x2] =	sbarrier.arrive $0xFFFF  }
0x45: {  	[sflag:s0] =	ssyncadd.tile.s32 @!p0 $0x1;
	_ =	shalt  }
.Lfunc_end1:
_tile_overlayer_lowered:
.L_overlay_start_2:
0x46: {  	(tag) =	ssettag $0x2  }
0x47: {  	s0 =	rddreg [dreg:$0x0];
	s2 =	stileid.u32  }
0x48: {  	s1 =	rddreg [dreg:$0x1];
	p0 =	sne.s32 s2, $0x0  }
0x49: {  	s3 =	rddreg [dreg:$0x2];
	[bflag:$0x3] =	sbarrier.arrive $0xFFFF;
	s2 =	simm.s32 @!p0 $0x1C01  }
0x4a: {  	[timem:s3], [sflag:s2] =	dma.local @!p0 [hbm:s0], s1  }
0x4b: {  	s0 =	simm.s32 @!p0 $0x1  }
0x4c: {  	_ =	swait.ge @!p0 [sflag:s0], s1  }
0x4d: {  	s1 =	ssub.s32 @!p0 $0x0, s1;
	[sflag:s0] =	ssyncset.done @!p0 $0x0  }
0x4e: {  	[sflag:s0] =	ssyncadd.s32 @!p0 s1  }
0x4f: {  	[bflag:$0x3] =	sbarrier.arrive $0xFFFF  }
0x50: {  	_ =	shalt  }

</sc_bundles>
